<compile_context>
chip_gen: v7x
topology: tpu7x:2x2x1
jax: 0.10.2.dev20260603
libtpu: 0.0.44.dev20260713+nightly
codegen_flags: <defaults>
</compile_context>

<pallas_src>
import functools

import jax
import jax.numpy as jnp
from jax import lax
from jax.experimental import pallas as pl
from jax.experimental.pallas import tpu as pltpu
import jax.experimental.pallas.tpu_sc as plsc

D_MODEL = 128
TOTAL_EMB = 150
N_TOKENS = 16384

_NC, _NS, _L = 1, 16, 16
_NW = _NC * _NS
_S_SC = 2048
_TPW = _S_SC // _NW
_KSEG = D_MODEL // _L


def _sc_body(cv_hbm, c_hbm, idx_hbm, table_hbm, w_hbm, b_hbm, out_hbm,
             table_v, idx_v, cv_v, c_v, w_v, b_v, obuf, sem):
    wid = lax.axis_index("s") * _NC + lax.axis_index("c")
    base = wid * _TPW

    pltpu.sync_copy(table_hbm, table_v)
    pltpu.sync_copy(idx_hbm.at[pl.ds(base, _TPW)], idx_v)
    pltpu.sync_copy(cv_hbm.at[pl.ds(base, _TPW)], cv_v)
    pltpu.sync_copy(c_hbm.at[pl.ds(base, _TPW)], c_v)
    pltpu.sync_copy(w_hbm, w_v)
    pltpu.sync_copy(b_hbm, b_v)

    wk = [w_v[pl.ds(_L * k, _L)] for k in range(_KSEG)]
    bk = [b_v[pl.ds(_L * k, _L)] for k in range(_KSEG)]
    col = jnp.arange(_L, dtype=jnp.int32)
    cols = [col + _L * k for k in range(_KSEG)]

    @plsc.parallel_loop(0, _TPW, unroll=4)
    def _tok(t):
        tvec = jnp.full((_L,), t, jnp.int32)
        idx_spl = plsc.load_gather(idx_v, [tvec])
        cv_spl = plsc.load_gather(cv_v, [tvec])
        c_spl = plsc.load_gather(c_v, [tvec])
        m = c_spl > 0.5
        row0 = idx_spl * D_MODEL
        for k in range(_KSEG):
            g = plsc.load_gather(table_v, [row0 + cols[k]])
            o = jnp.where(m, cv_spl * wk[k] + bk[k], g)
            obuf[pl.ds(t * D_MODEL + _L * k, _L)] = o

    dst = out_hbm.at[pl.ds(base * D_MODEL, _TPW * D_MODEL)]
    pltpu.async_copy(obuf, dst, sem).wait()


def _sc_part(cv, cm, idx, table_flat, w, b):
    run = pl.kernel(
        _sc_body,
        out_type=jax.ShapeDtypeStruct((_S_SC * D_MODEL,), jnp.float32),
        mesh=plsc.VectorSubcoreMesh(
            core_axis_name="c", subcore_axis_name="s",
            num_cores=_NC, num_subcores=_NS),
        compiler_params=pltpu.CompilerParams(needs_layout_passes=False),
        scratch_types=[
            pltpu.VMEM((TOTAL_EMB * D_MODEL,), jnp.float32),
            pltpu.VMEM((_TPW,), jnp.int32),
            pltpu.VMEM((_TPW,), jnp.float32),
            pltpu.VMEM((_TPW,), jnp.float32),
            pltpu.VMEM((D_MODEL,), jnp.float32),
            pltpu.VMEM((D_MODEL,), jnp.float32),
            pltpu.VMEM((_TPW * D_MODEL,), jnp.float32),
            pltpu.SemaphoreType.DMA,
        ],
    )
    return run(cv, cm, idx, table_flat, w, b).reshape(_S_SC, D_MODEL)


_PAD_EMB = TOTAL_EMB
_TBLK = 2048
_OFF = _S_SC // _TBLK
_NTBLK = (N_TOKENS - _S_SC) // _TBLK


def _tc_body(cv_ref, mask_ref, idx_ref, table_ref, w_ref, b_ref, out_ref):
    cv = cv_ref[0, 0, :]
    mask = mask_ref[0, 0, :]
    idx = idx_ref[0, 0, :]
    cols = jax.lax.broadcasted_iota(jnp.int32, (_TBLK, _PAD_EMB), 1)
    onehot = (cols == idx[:, None]).astype(jnp.float32)
    emb_out = jax.lax.dot_general(
        onehot, table_ref[...],
        dimension_numbers=(((1,), (0,)), ((), ())),
        preferred_element_type=jnp.float32,
    )
    const_out = cv[:, None] * w_ref[0, :][None, :] + b_ref[0, :][None, :]
    out_ref[...] = jnp.where(mask[:, None] > 0.5, const_out, emb_out)


def _tc_part(cv3, m3, i3, table_pad, w, b):
    return pl.pallas_call(
        _tc_body,
        grid=(_NTBLK,),
        in_specs=[
            pl.BlockSpec((1, 1, _TBLK), lambda i: (i + _OFF, 0, 0)),
            pl.BlockSpec((1, 1, _TBLK), lambda i: (i + _OFF, 0, 0)),
            pl.BlockSpec((1, 1, _TBLK), lambda i: (i + _OFF, 0, 0)),
            pl.BlockSpec((_PAD_EMB, D_MODEL), lambda i: (0, 0)),
            pl.BlockSpec((1, D_MODEL), lambda i: (0, 0)),
            pl.BlockSpec((1, D_MODEL), lambda i: (0, 0)),
        ],
        out_specs=pl.BlockSpec((_TBLK, D_MODEL), lambda i: (i + _OFF, 0)),
        out_shape=jax.ShapeDtypeStruct((N_TOKENS, D_MODEL), jnp.float32),
    )(cv3, m3, i3, table_pad, w, b)


@jax.jit
def kernel(const_vals, W_const, b_const, emb_table, is_const, emb_type_idx):
    cv = const_vals.astype(jnp.float32)
    cm = is_const.astype(jnp.float32)
    idx = emb_type_idx.astype(jnp.int32)
    w = W_const.reshape(1, D_MODEL).astype(jnp.float32)
    b = b_const.reshape(1, D_MODEL).astype(jnp.float32)
    table = emb_table.astype(jnp.float32)

    sc_out = _sc_part(cv, cm, idx, table.reshape(TOTAL_EMB * D_MODEL),
                      w.reshape(D_MODEL), b.reshape(D_MODEL))

    table_pad = table
    nblk_all = N_TOKENS // _TBLK
    cv3 = cv.reshape(nblk_all, 1, _TBLK)
    m3 = cm.reshape(nblk_all, 1, _TBLK)
    i3 = idx.reshape(nblk_all, 1, _TBLK)
    tc_out = _tc_part(cv3, m3, i3, table_pad, w, b)

    return lax.dynamic_update_slice(tc_out, sc_out, (0, 0))

# --- scband reference (transcript-rebuilt; emitter-appended) ---
"""Pipeline reference for scband-token-embedding-90091234001328 (READ-ONLY COPY).

The authoritative reference and input builder live on the scoring server;
editing this copy changes nothing except your own understanding.
"""

import jax, jax.numpy as jnp
import numpy as np

D_MODEL = 128
TOTAL_EMB = 150  # len(SequenceIndicatorType)=4 + len(FeatureType)=6 + len(Operators)=40 + dt_count=100
N_TOKENS = 16384


def setup_inputs(seed: int = 0) -> dict:
    key = jax.random.key(seed)
    k1, k2, k3, k4, k5, k6 = jax.random.split(key, 6)
    # token stream tensorization: each token is either a ConstantToken (is_const=True,
    # uses const_vals via the 1->d_model linear) or an embedding-type token
    # (is_const=False, uses emb_type_idx into the shared embedding table).
    is_const = jax.random.randint(k1, (N_TOKENS,), 0, 2).astype(bool)
    const_vals = jax.random.normal(k2, (N_TOKENS,), dtype=jnp.float32)
    emb_type_idx = jax.random.randint(k3, (N_TOKENS,), 0, TOTAL_EMB)
    # nn.Linear(1, d_model): weight [d_model, 1], bias [d_model]
    W_const = jax.random.normal(k4, (D_MODEL, 1), dtype=jnp.float32)
    b_const = jax.random.normal(k5, (D_MODEL,), dtype=jnp.float32) * 0.01
    # nn.Embedding(total_emb, d_model)
    emb_table = jax.random.normal(k6, (TOTAL_EMB, D_MODEL), dtype=jnp.float32)
    return {
        "const_vals": const_vals,
        "W_const": W_const,
        "b_const": b_const,
        "emb_table": emb_table,
        "is_const": is_const,
        "emb_type_idx": emb_type_idx,
    }


def reference(const_vals, W_const, b_const, emb_table, is_const, emb_type_idx):
    # const branch: result[const_idx] = const_linear(const_tensor)
    const_out = const_vals[:, None] @ W_const.T + b_const[None, :]  # [N, d_model]
    # embedding branch: result[emb_idx] = emb(emb_type_idx)
    emb_out = jnp.take(emb_table, emb_type_idx, axis=0)  # [N, d_model]
    # every token is exactly one of the two kinds, so the scatter-assembly of the
    # original forward is equivalent to a per-row select
    result = jnp.where(is_const[:, None], const_out, emb_out)
    return result

if __name__ == "__main__":
    import jax
    _d = setup_inputs()
    print(jax.jit(kernel)(*tuple(_d.values())))

</pallas_src>

<mosaic_0001>
#map = affine_map<(d0, d1) -> (0)>
module attributes {stable_mosaic.version = 14 : i64} {
  func.func @_sc_body(%arg0: i32, %arg1: i32, %arg2: memref<16384xf32, #tpu.memory_space<hbm>>, %arg3: memref<16384xf32, #tpu.memory_space<hbm>>, %arg4: memref<16384xi32, #tpu.memory_space<hbm>>, %arg5: memref<19200xf32, #tpu.memory_space<hbm>>, %arg6: memref<128xf32, #tpu.memory_space<hbm>>, %arg7: memref<128xf32, #tpu.memory_space<hbm>>, %arg8: memref<262144xf32, #tpu.memory_space<hbm>>, %arg9: memref<19200xf32, #tpu.memory_space<vmem>>, %arg10: memref<128xi32, #tpu.memory_space<vmem>>, %arg11: memref<128xf32, #tpu.memory_space<vmem>>, %arg12: memref<128xf32, #tpu.memory_space<vmem>>, %arg13: memref<128xf32, #tpu.memory_space<vmem>>, %arg14: memref<128xf32, #tpu.memory_space<vmem>>, %arg15: memref<16384xf32, #tpu.memory_space<vmem>>, %arg16: memref<!tpu.dma_semaphore, #tpu.memory_space<semaphore_mem>>) attributes {dimension_semantics = [#tpu.dimension_semantics<core_parallel>, #tpu.dimension_semantics<subcore_parallel>], iteration_bounds = array<i64: 1, 16>, scalar_prefetch = 0 : i64, scratch_operands = 8 : i64, tpu.core_type = #tpu.core_type<sc_vector_subcore>, window_params = [{transform_indices = #map}, {transform_indices = #map}, {transform_indices = #map}, {transform_indices = #map}, {transform_indices = #map}, {transform_indices = #map}, {transform_indices = #map}]} {
    %mul3A = arith.constant 1 : i32
    %mul3A_0 = arith.muli %arg1, %mul3A : i32
    %add3A = arith.addi %mul3A_0, %arg0 : i32
    %mul3A_1 = arith.constant 128 : i32
    %mul3A_2 = arith.muli %add3A, %mul3A_1 : i32
    "tpu.region"() ({
      %run_scoped3A = tpu.sem_alloc : memref<!tpu.dma_semaphore, #tpu.memory_space<semaphore_mem>>
      tpu.enqueue_dma source(%arg5 : memref<19200xf32, #tpu.memory_space<hbm>>) target(%arg9 : memref<19200xf32, #tpu.memory_space<vmem>>) target_semaphore(%run_scoped3A : memref<!tpu.dma_semaphore, #tpu.memory_space<semaphore_mem>>)
      tpu.wait_dma2 semaphore(%run_scoped3A : memref<!tpu.dma_semaphore, #tpu.memory_space<semaphore_mem>>) src(%arg5 : memref<19200xf32, #tpu.memory_space<hbm>>) dst(%arg9 : memref<19200xf32, #tpu.memory_space<vmem>>)
      tpu.yield
    }) : () -> ()
    "tpu.region"() ({
      %run_scoped3A = tpu.sem_alloc : memref<!tpu.dma_semaphore, #tpu.memory_space<semaphore_mem>>
      %dma_start3A_64 = tpu.memref_slice %arg4[%mul3A_2] : memref<16384xi32, #tpu.memory_space<hbm>> -> memref<128xi32, #tpu.memory_space<hbm>>
      %dma_start3A_65 = tpu.memref_slice %arg4[%mul3A_2] : memref<16384xi32, #tpu.memory_space<hbm>> -> memref<128xi32, #tpu.memory_space<hbm>>
      tpu.enqueue_dma source(%dma_start3A_65 : memref<128xi32, #tpu.memory_space<hbm>>) target(%arg10 : memref<128xi32, #tpu.memory_space<vmem>>) target_semaphore(%run_scoped3A : memref<!tpu.dma_semaphore, #tpu.memory_space<semaphore_mem>>)
      %dma_wait3A_66 = tpu.memref_slice %arg4[%mul3A_2] : memref<16384xi32, #tpu.memory_space<hbm>> -> memref<128xi32, #tpu.memory_space<hbm>>
      %dma_wait3A_67 = tpu.memref_slice %arg4[%mul3A_2] : memref<16384xi32, #tpu.memory_space<hbm>> -> memref<128xi32, #tpu.memory_space<hbm>>
      tpu.wait_dma2 semaphore(%run_scoped3A : memref<!tpu.dma_semaphore, #tpu.memory_space<semaphore_mem>>) src(%dma_wait3A_67 : memref<128xi32, #tpu.memory_space<hbm>>) dst(%arg10 : memref<128xi32, #tpu.memory_space<vmem>>)
      tpu.yield
    }) : () -> ()
    "tpu.region"() ({
      %run_scoped3A = tpu.sem_alloc : memref<!tpu.dma_semaphore, #tpu.memory_space<semaphore_mem>>
      %dma_start3A_64 = tpu.memref_slice %arg2[%mul3A_2] : memref<16384xf32, #tpu.memory_space<hbm>> -> memref<128xf32, #tpu.memory_space<hbm>>
      %dma_start3A_65 = tpu.memref_slice %arg2[%mul3A_2] : memref<16384xf32, #tpu.memory_space<hbm>> -> memref<128xf32, #tpu.memory_space<hbm>>
      tpu.enqueue_dma source(%dma_start3A_65 : memref<128xf32, #tpu.memory_space<hbm>>) target(%arg11 : memref<128xf32, #tpu.memory_space<vmem>>) target_semaphore(%run_scoped3A : memref<!tpu.dma_semaphore, #tpu.memory_space<semaphore_mem>>)
      %dma_wait3A_66 = tpu.memref_slice %arg2[%mul3A_2] : memref<16384xf32, #tpu.memory_space<hbm>> -> memref<128xf32, #tpu.memory_space<hbm>>
      %dma_wait3A_67 = tpu.memref_slice %arg2[%mul3A_2] : memref<16384xf32, #tpu.memory_space<hbm>> -> memref<128xf32, #tpu.memory_space<hbm>>
      tpu.wait_dma2 semaphore(%run_scoped3A : memref<!tpu.dma_semaphore, #tpu.memory_space<semaphore_mem>>) src(%dma_wait3A_67 : memref<128xf32, #tpu.memory_space<hbm>>) dst(%arg11 : memref<128xf32, #tpu.memory_space<vmem>>)
      tpu.yield
    }) : () -> ()
    "tpu.region"() ({
      %run_scoped3A = tpu.sem_alloc : memref<!tpu.dma_semaphore, #tpu.memory_space<semaphore_mem>>
      %dma_start3A_64 = tpu.memref_slice %arg3[%mul3A_2] : memref<16384xf32, #tpu.memory_space<hbm>> -> memref<128xf32, #tpu.memory_space<hbm>>
      %dma_start3A_65 = tpu.memref_slice %arg3[%mul3A_2] : memref<16384xf32, #tpu.memory_space<hbm>> -> memref<128xf32, #tpu.memory_space<hbm>>
      tpu.enqueue_dma source(%dma_start3A_65 : memref<128xf32, #tpu.memory_space<hbm>>) target(%arg12 : memref<128xf32, #tpu.memory_space<vmem>>) target_semaphore(%run_scoped3A : memref<!tpu.dma_semaphore, #tpu.memory_space<semaphore_mem>>)
      %dma_wait3A_66 = tpu.memref_slice %arg3[%mul3A_2] : memref<16384xf32, #tpu.memory_space<hbm>> -> memref<128xf32, #tpu.memory_space<hbm>>
      %dma_wait3A_67 = tpu.memref_slice %arg3[%mul3A_2] : memref<16384xf32, #tpu.memory_space<hbm>> -> memref<128xf32, #tpu.memory_space<hbm>>
      tpu.wait_dma2 semaphore(%run_scoped3A : memref<!tpu.dma_semaphore, #tpu.memory_space<semaphore_mem>>) src(%dma_wait3A_67 : memref<128xf32, #tpu.memory_space<hbm>>) dst(%arg12 : memref<128xf32, #tpu.memory_space<vmem>>)
      tpu.yield
    }) : () -> ()
    "tpu.region"() ({
      %run_scoped3A = tpu.sem_alloc : memref<!tpu.dma_semaphore, #tpu.memory_space<semaphore_mem>>
      tpu.enqueue_dma source(%arg6 : memref<128xf32, #tpu.memory_space<hbm>>) target(%arg13 : memref<128xf32, #tpu.memory_space<vmem>>) target_semaphore(%run_scoped3A : memref<!tpu.dma_semaphore, #tpu.memory_space<semaphore_mem>>)
      tpu.wait_dma2 semaphore(%run_scoped3A : memref<!tpu.dma_semaphore, #tpu.memory_space<semaphore_mem>>) src(%arg6 : memref<128xf32, #tpu.memory_space<hbm>>) dst(%arg13 : memref<128xf32, #tpu.memory_space<vmem>>)
      tpu.yield
    }) : () -> ()
    "tpu.region"() ({
      %run_scoped3A = tpu.sem_alloc : memref<!tpu.dma_semaphore, #tpu.memory_space<semaphore_mem>>
      tpu.enqueue_dma source(%arg7 : memref<128xf32, #tpu.memory_space<hbm>>) target(%arg14 : memref<128xf32, #tpu.memory_space<vmem>>) target_semaphore(%run_scoped3A : memref<!tpu.dma_semaphore, #tpu.memory_space<semaphore_mem>>)
      tpu.wait_dma2 semaphore(%run_scoped3A : memref<!tpu.dma_semaphore, #tpu.memory_space<semaphore_mem>>) src(%arg7 : memref<128xf32, #tpu.memory_space<hbm>>) dst(%arg14 : memref<128xf32, #tpu.memory_space<vmem>>)
      tpu.yield
    }) : () -> ()
    %get3A = arith.constant 0 : index
    %get3A_3 = tpu.vector_load %arg13[%get3A] {strides = array<i32>} : memref<128xf32, #tpu.memory_space<vmem>>, vector<16xf32>,
    %get3A_4 = arith.constant 16 : index
    %get3A_5 = tpu.vector_load %arg13[%get3A_4] {strides = array<i32>} : memref<128xf32, #tpu.memory_space<vmem>>, vector<16xf32>,
    %get3A_6 = arith.constant 32 : index
    %get3A_7 = tpu.vector_load %arg13[%get3A_6] {strides = array<i32>} : memref<128xf32, #tpu.memory_space<vmem>>, vector<16xf32>,
    %get3A_8 = arith.constant 48 : index
    %get3A_9 = tpu.vector_load %arg13[%get3A_8] {strides = array<i32>} : memref<128xf32, #tpu.memory_space<vmem>>, vector<16xf32>,
    %get3A_10 = arith.constant 64 : index
    %get3A_11 = tpu.vector_load %arg13[%get3A_10] {strides = array<i32>} : memref<128xf32, #tpu.memory_space<vmem>>, vector<16xf32>,
    %get3A_12 = arith.constant 80 : index
    %get3A_13 = tpu.vector_load %arg13[%get3A_12] {strides = array<i32>} : memref<128xf32, #tpu.memory_space<vmem>>, vector<16xf32>,
    %get3A_14 = arith.constant 96 : index
    %get3A_15 = tpu.vector_load %arg13[%get3A_14] {strides = array<i32>} : memref<128xf32, #tpu.memory_space<vmem>>, vector<16xf32>,
    %get3A_16 = arith.constant 112 : index
    %get3A_17 = tpu.vector_load %arg13[%get3A_16] {strides = array<i32>} : memref<128xf32, #tpu.memory_space<vmem>>, vector<16xf32>,
    %get3A_18 = arith.constant 0 : index
    %get3A_19 = tpu.vector_load %arg14[%get3A_18] {strides = array<i32>} : memref<128xf32, #tpu.memory_space<vmem>>, vector<16xf32>,
    %get3A_20 = arith.constant 16 : index
    %get3A_21 = tpu.vector_load %arg14[%get3A_20] {strides = array<i32>} : memref<128xf32, #tpu.memory_space<vmem>>, vector<16xf32>,
    %get3A_22 = arith.constant 32 : index
    %get3A_23 = tpu.vector_load %arg14[%get3A_22] {strides = array<i32>} : memref<128xf32, #tpu.memory_space<vmem>>, vector<16xf32>,
    %get3A_24 = arith.constant 48 : index
    %get3A_25 = tpu.vector_load %arg14[%get3A_24] {strides = array<i32>} : memref<128xf32, #tpu.memory_space<vmem>>, vector<16xf32>,
    %get3A_26 = arith.constant 64 : index
    %get3A_27 = tpu.vector_load %arg14[%get3A_26] {strides = array<i32>} : memref<128xf32, #tpu.memory_space<vmem>>, vector<16xf32>,
    %get3A_28 = arith.constant 80 : index
    %get3A_29 = tpu.vector_load %arg14[%get3A_28] {strides = array<i32>} : memref<128xf32, #tpu.memory_space<vmem>>, vector<16xf32>,
    %get3A_30 = arith.constant 96 : index
    %get3A_31 = tpu.vector_load %arg14[%get3A_30] {strides = array<i32>} : memref<128xf32, #tpu.memory_space<vmem>>, vector<16xf32>,
    %get3A_32 = arith.constant 112 : index
    %get3A_33 = tpu.vector_load %arg14[%get3A_32] {strides = array<i32>} : memref<128xf32, #tpu.memory_space<vmem>>, vector<16xf32>,
    %iota3A = tpu.iota {dimensions = array<i32: 0>} : vector<16xi32>
    %add3A_34 = arith.constant 0 : i32
    %add3A_35 = vector.broadcast %add3A_34 : i32 to vector<16xi32>
    %add3A_36 = arith.addi %iota3A, %add3A_35 : vector<16xi32>
    %add3A_37 = arith.constant 16 : i32
    %add3A_38 = vector.broadcast %add3A_37 : i32 to vector<16xi32>
    %add3A_39 = arith.addi %iota3A, %add3A_38 : vector<16xi32>
    %add3A_40 = arith.constant 32 : i32
    %add3A_41 = vector.broadcast %add3A_40 : i32 to vector<16xi32>
    %add3A_42 = arith.addi %iota3A, %add3A_41 : vector<16xi32>
    %add3A_43 = arith.constant 48 : i32
    %add3A_44 = vector.broadcast %add3A_43 : i32 to vector<16xi32>
    %add3A_45 = arith.addi %iota3A, %add3A_44 : vector<16xi32>
    %add3A_46 = arith.constant 64 : i32
    %add3A_47 = vector.broadcast %add3A_46 : i32 to vector<16xi32>
    %add3A_48 = arith.addi %iota3A, %add3A_47 : vector<16xi32>
    %add3A_49 = arith.constant 80 : i32
    %add3A_50 = vector.broadcast %add3A_49 : i32 to vector<16xi32>
    %add3A_51 = arith.addi %iota3A, %add3A_50 : vector<16xi32>
    %add3A_52 = arith.constant 96 : i32
    %add3A_53 = vector.broadcast %add3A_52 : i32 to vector<16xi32>
    %add3A_54 = arith.addi %iota3A, %add3A_53 : vector<16xi32>
    %add3A_55 = arith.constant 112 : i32
    %add3A_56 = vector.broadcast %add3A_55 : i32 to vector<16xi32>
    %add3A_57 = arith.addi %iota3A, %add3A_56 : vector<16xi32>
    %parallel_loop3A = arith.constant 0 : i32
    %parallel_loop3A_58 = arith.constant 128 : i32
    %parallel_loop3A_59 = arith.constant 1 : i32
    scf.for %parallel_loop3A_64 = %parallel_loop3A to %parallel_loop3A_58 step %parallel_loop3A_59  : i32 {
      %parallel_loop3A_65 = vector.broadcast %parallel_loop3A_64 : i32 to vector<16xi32>
      %parallel_loop3A_66 = tpu.vector_load_idx %arg10[%parallel_loop3A_65] : memref<128xi32, #tpu.memory_space<vmem>>[vector<16xi32>], vector<16xi32>,
      %parallel_loop3A_67 = tpu.vector_load_idx %arg11[%parallel_loop3A_65] : memref<128xf32, #tpu.memory_space<vmem>>[vector<16xi32>], vector<16xf32>,
      %parallel_loop3A_68 = tpu.vector_load_idx %arg12[%parallel_loop3A_65] : memref<128xf32, #tpu.memory_space<vmem>>[vector<16xi32>], vector<16xf32>,
      %parallel_loop3A_69 = arith.constant 5.000000e-01 : f32
      %parallel_loop3A_70 = vector.broadcast %parallel_loop3A_69 : f32 to vector<16xf32>
      %parallel_loop3A_71 = arith.cmpf ogt, %parallel_loop3A_68, %parallel_loop3A_70 : vector<16xf32>
      %parallel_loop3A_72 = arith.constant 128 : i32
      %parallel_loop3A_73 = vector.broadcast %parallel_loop3A_72 : i32 to vector<16xi32>
      %parallel_loop3A_74 = arith.muli %parallel_loop3A_66, %parallel_loop3A_73 : vector<16xi32>
      %parallel_loop3A_75 = arith.addi %parallel_loop3A_74, %add3A_36 : vector<16xi32>
      %parallel_loop3A_76 = tpu.vector_load_idx %arg9[%parallel_loop3A_75] : memref<19200xf32, #tpu.memory_space<vmem>>[vector<16xi32>], vector<16xf32>,
      %parallel_loop3A_77 = arith.mulf %parallel_loop3A_67, %get3A_3 : vector<16xf32>
      %parallel_loop3A_78 = arith.addf %parallel_loop3A_77, %get3A_19 : vector<16xf32>
      %parallel_loop3A_79 = arith.select %parallel_loop3A_71, %parallel_loop3A_78, %parallel_loop3A_76 : vector<16xi1>, vector<16xf32>
      %parallel_loop3A_80 = arith.constant 128 : i32
      %parallel_loop3A_81 = arith.muli %parallel_loop3A_64, %parallel_loop3A_80 : i32
      %parallel_loop3A_82 = arith.constant 0 : i32
      %parallel_loop3A_83 = arith.addi %parallel_loop3A_81, %parallel_loop3A_82 : i32
      %parallel_loop3A_84 = arith.index_cast %parallel_loop3A_83 : i32 to index
      %parallel_loop3A_85 = tpu.vector_load %arg15[%parallel_loop3A_84] {strides = array<i32>} : memref<16384xf32, #tpu.memory_space<vmem>>, vector<16xf32>,
      tpu.vector_store %arg15[%parallel_loop3A_84], %parallel_loop3A_79 {strides = array<i32>} : memref<16384xf32, #tpu.memory_space<vmem>>, vector<16xf32>,
      %parallel_loop3A_86 = arith.addi %parallel_loop3A_74, %add3A_39 : vector<16xi32>
      %parallel_loop3A_87 = tpu.vector_load_idx %arg9[%parallel_loop3A_86] : memref<19200xf32, #tpu.memory_space<vmem>>[vector<16xi32>], vector<16xf32>,
      %parallel_loop3A_88 = arith.mulf %parallel_loop3A_67, %get3A_5 : vector<16xf32>
      %parallel_loop3A_89 = arith.addf %parallel_loop3A_88, %get3A_21 : vector<16xf32>
      %parallel_loop3A_90 = arith.select %parallel_loop3A_71, %parallel_loop3A_89, %parallel_loop3A_87 : vector<16xi1>, vector<16xf32>
      %parallel_loop3A_91 = arith.constant 128 : i32
      %parallel_loop3A_92 = arith.muli %parallel_loop3A_64, %parallel_loop3A_91 : i32
      %parallel_loop3A_93 = arith.constant 16 : i32
      %parallel_loop3A_94 = arith.addi %parallel_loop3A_92, %parallel_loop3A_93 : i32
      %parallel_loop3A_95 = arith.index_cast %parallel_loop3A_94 : i32 to index
      %parallel_loop3A_96 = tpu.vector_load %arg15[%parallel_loop3A_95] {strides = array<i32>} : memref<16384xf32, #tpu.memory_space<vmem>>, vector<16xf32>,
      tpu.vector_store %arg15[%parallel_loop3A_95], %parallel_loop3A_90 {strides = array<i32>} : memref<16384xf32, #tpu.memory_space<vmem>>, vector<16xf32>,
      %parallel_loop3A_97 = arith.addi %parallel_loop3A_74, %add3A_42 : vector<16xi32>
      %parallel_loop3A_98 = tpu.vector_load_idx %arg9[%parallel_loop3A_97] : memref<19200xf32, #tpu.memory_space<vmem>>[vector<16xi32>], vector<16xf32>,
      %parallel_loop3A_99 = arith.mulf %parallel_loop3A_67, %get3A_7 : vector<16xf32>
      %parallel_loop3A_100 = arith.addf %parallel_loop3A_99, %get3A_23 : vector<16xf32>
      %parallel_loop3A_101 = arith.select %parallel_loop3A_71, %parallel_loop3A_100, %parallel_loop3A_98 : vector<16xi1>, vector<16xf32>
      %parallel_loop3A_102 = arith.constant 128 : i32
      %parallel_loop3A_103 = arith.muli %parallel_loop3A_64, %parallel_loop3A_102 : i32
      %parallel_loop3A_104 = arith.constant 32 : i32
      %parallel_loop3A_105 = arith.addi %parallel_loop3A_103, %parallel_loop3A_104 : i32
      %parallel_loop3A_106 = arith.index_cast %parallel_loop3A_105 : i32 to index
      %parallel_loop3A_107 = tpu.vector_load %arg15[%parallel_loop3A_106] {strides = array<i32>} : memref<16384xf32, #tpu.memory_space<vmem>>, vector<16xf32>,
      tpu.vector_store %arg15[%parallel_loop3A_106], %parallel_loop3A_101 {strides = array<i32>} : memref<16384xf32, #tpu.memory_space<vmem>>, vector<16xf32>,
      %parallel_loop3A_108 = arith.addi %parallel_loop3A_74, %add3A_45 : vector<16xi32>
      %parallel_loop3A_109 = tpu.vector_load_idx %arg9[%parallel_loop3A_108] : memref<19200xf32, #tpu.memory_space<vmem>>[vector<16xi32>], vector<16xf32>,
      %parallel_loop3A_110 = arith.mulf %parallel_loop3A_67, %get3A_9 : vector<16xf32>
      %parallel_loop3A_111 = arith.addf %parallel_loop3A_110, %get3A_25 : vector<16xf32>
      %parallel_loop3A_112 = arith.select %parallel_loop3A_71, %parallel_loop3A_111, %parallel_loop3A_109 : vector<16xi1>, vector<16xf32>
      %parallel_loop3A_113 = arith.constant 128 : i32
      %parallel_loop3A_114 = arith.muli %parallel_loop3A_64, %parallel_loop3A_113 : i32
      %parallel_loop3A_115 = arith.constant 48 : i32
      %parallel_loop3A_116 = arith.addi %parallel_loop3A_114, %parallel_loop3A_115 : i32
      %parallel_loop3A_117 = arith.index_cast %parallel_loop3A_116 : i32 to index
      %parallel_loop3A_118 = tpu.vector_load %arg15[%parallel_loop3A_117] {strides = array<i32>} : memref<16384xf32, #tpu.memory_space<vmem>>, vector<16xf32>,
      tpu.vector_store %arg15[%parallel_loop3A_117], %parallel_loop3A_112 {strides = array<i32>} : memref<16384xf32, #tpu.memory_space<vmem>>, vector<16xf32>,
      %parallel_loop3A_119 = arith.addi %parallel_loop3A_74, %add3A_48 : vector<16xi32>
      %parallel_loop3A_120 = tpu.vector_load_idx %arg9[%parallel_loop3A_119] : memref<19200xf32, #tpu.memory_space<vmem>>[vector<16xi32>], vector<16xf32>,
      %parallel_loop3A_121 = arith.mulf %parallel_loop3A_67, %get3A_11 : vector<16xf32>
      %parallel_loop3A_122 = arith.addf %parallel_loop3A_121, %get3A_27 : vector<16xf32>
      %parallel_loop3A_123 = arith.select %parallel_loop3A_71, %parallel_loop3A_122, %parallel_loop3A_120 : vector<16xi1>, vector<16xf32>
      %parallel_loop3A_124 = arith.constant 128 : i32
      %parallel_loop3A_125 = arith.muli %parallel_loop3A_64, %parallel_loop3A_124 : i32
      %parallel_loop3A_126 = arith.constant 64 : i32
      %parallel_loop3A_127 = arith.addi %parallel_loop3A_125, %parallel_loop3A_126 : i32
      %parallel_loop3A_128 = arith.index_cast %parallel_loop3A_127 : i32 to index
      %parallel_loop3A_129 = tpu.vector_load %arg15[%parallel_loop3A_128] {strides = array<i32>} : memref<16384xf32, #tpu.memory_space<vmem>>, vector<16xf32>,
      tpu.vector_store %arg15[%parallel_loop3A_128], %parallel_loop3A_123 {strides = array<i32>} : memref<16384xf32, #tpu.memory_space<vmem>>, vector<16xf32>,
      %parallel_loop3A_130 = arith.addi %parallel_loop3A_74, %add3A_51 : vector<16xi32>
      %parallel_loop3A_131 = tpu.vector_load_idx %arg9[%parallel_loop3A_130] : memref<19200xf32, #tpu.memory_space<vmem>>[vector<16xi32>], vector<16xf32>,
      %parallel_loop3A_132 = arith.mulf %parallel_loop3A_67, %get3A_13 : vector<16xf32>
      %parallel_loop3A_133 = arith.addf %parallel_loop3A_132, %get3A_29 : vector<16xf32>
      %parallel_loop3A_134 = arith.select %parallel_loop3A_71, %parallel_loop3A_133, %parallel_loop3A_131 : vector<16xi1>, vector<16xf32>
      %parallel_loop3A_135 = arith.constant 128 : i32
      %parallel_loop3A_136 = arith.muli %parallel_loop3A_64, %parallel_loop3A_135 : i32
      %parallel_loop3A_137 = arith.constant 80 : i32
      %parallel_loop3A_138 = arith.addi %parallel_loop3A_136, %parallel_loop3A_137 : i32
      %parallel_loop3A_139 = arith.index_cast %parallel_loop3A_138 : i32 to index
      %parallel_loop3A_140 = tpu.vector_load %arg15[%parallel_loop3A_139] {strides = array<i32>} : memref<16384xf32, #tpu.memory_space<vmem>>, vector<16xf32>,
      tpu.vector_store %arg15[%parallel_loop3A_139], %parallel_loop3A_134 {strides = array<i32>} : memref<16384xf32, #tpu.memory_space<vmem>>, vector<16xf32>,
      %parallel_loop3A_141 = arith.addi %parallel_loop3A_74, %add3A_54 : vector<16xi32>
      %parallel_loop3A_142 = tpu.vector_load_idx %arg9[%parallel_loop3A_141] : memref<19200xf32, #tpu.memory_space<vmem>>[vector<16xi32>], vector<16xf32>,
      %parallel_loop3A_143 = arith.mulf %parallel_loop3A_67, %get3A_15 : vector<16xf32>
      %parallel_loop3A_144 = arith.addf %parallel_loop3A_143, %get3A_31 : vector<16xf32>
      %parallel_loop3A_145 = arith.select %parallel_loop3A_71, %parallel_loop3A_144, %parallel_loop3A_142 : vector<16xi1>, vector<16xf32>
      %parallel_loop3A_146 = arith.constant 128 : i32
      %parallel_loop3A_147 = arith.muli %parallel_loop3A_64, %parallel_loop3A_146 : i32
      %parallel_loop3A_148 = arith.constant 96 : i32
      %parallel_loop3A_149 = arith.addi %parallel_loop3A_147, %parallel_loop3A_148 : i32
      %parallel_loop3A_150 = arith.index_cast %parallel_loop3A_149 : i32 to index
      %parallel_loop3A_151 = tpu.vector_load %arg15[%parallel_loop3A_150] {strides = array<i32>} : memref<16384xf32, #tpu.memory_space<vmem>>, vector<16xf32>,
      tpu.vector_store %arg15[%parallel_loop3A_150], %parallel_loop3A_145 {strides = array<i32>} : memref<16384xf32, #tpu.memory_space<vmem>>, vector<16xf32>,
      %parallel_loop3A_152 = arith.addi %parallel_loop3A_74, %add3A_57 : vector<16xi32>
      %parallel_loop3A_153 = tpu.vector_load_idx %arg9[%parallel_loop3A_152] : memref<19200xf32, #tpu.memory_space<vmem>>[vector<16xi32>], vector<16xf32>,
      %parallel_loop3A_154 = arith.mulf %parallel_loop3A_67, %get3A_17 : vector<16xf32>
      %parallel_loop3A_155 = arith.addf %parallel_loop3A_154, %get3A_33 : vector<16xf32>
      %parallel_loop3A_156 = arith.select %parallel_loop3A_71, %parallel_loop3A_155, %parallel_loop3A_153 : vector<16xi1>, vector<16xf32>
      %parallel_loop3A_157 = arith.constant 128 : i32
      %parallel_loop3A_158 = arith.muli %parallel_loop3A_64, %parallel_loop3A_157 : i32
      %parallel_loop3A_159 = arith.constant 112 : i32
      %parallel_loop3A_160 = arith.addi %parallel_loop3A_158, %parallel_loop3A_159 : i32
      %parallel_loop3A_161 = arith.index_cast %parallel_loop3A_160 : i32 to index
      %parallel_loop3A_162 = tpu.vector_load %arg15[%parallel_loop3A_161] {strides = array<i32>} : memref<16384xf32, #tpu.memory_space<vmem>>, vector<16xf32>,
      tpu.vector_store %arg15[%parallel_loop3A_161], %parallel_loop3A_156 {strides = array<i32>} : memref<16384xf32, #tpu.memory_space<vmem>>, vector<16xf32>,
    } {sc.loop_unroll_factor = 4 : i64, sc.parallel_access}
    %mul3A_60 = arith.constant 128 : i32
    %mul3A_61 = arith.muli %mul3A_2, %mul3A_60 : i32
    %dma_start3A = tpu.memref_slice %arg8[%mul3A_61] : memref<262144xf32, #tpu.memory_space<hbm>> -> memref<16384xf32, #tpu.memory_space<hbm>>
    %dma_start3A_62 = tpu.memref_slice %arg8[%mul3A_61] : memref<262144xf32, #tpu.memory_space<hbm>> -> memref<16384xf32, #tpu.memory_space<hbm>>
    tpu.enqueue_dma source(%arg15 : memref<16384xf32, #tpu.memory_space<vmem>>) target(%dma_start3A_62 : memref<16384xf32, #tpu.memory_space<hbm>>) target_semaphore(%arg16 : memref<!tpu.dma_semaphore, #tpu.memory_space<semaphore_mem>>)
    %dma_wait3A = tpu.memref_slice %arg8[%mul3A_61] : memref<262144xf32, #tpu.memory_space<hbm>> -> memref<16384xf32, #tpu.memory_space<hbm>>
    %dma_wait3A_63 = tpu.memref_slice %arg8[%mul3A_61] : memref<262144xf32, #tpu.memory_space<hbm>> -> memref<16384xf32, #tpu.memory_space<hbm>>
    tpu.wait_dma2 semaphore(%arg16 : memref<!tpu.dma_semaphore, #tpu.memory_space<semaphore_mem>>) src(%arg15 : memref<16384xf32, #tpu.memory_space<vmem>>) dst(%dma_wait3A_63 : memref<16384xf32, #tpu.memory_space<hbm>>)
    return
  }
}

module attributes {stable_mosaic.version = 14 : i64} {
  func.func @_tc_body(%arg0: i32, %arg1: memref<1x1x2048xf32, #tpu.memory_space<vmem>>, %arg2: memref<1x1x2048xf32, #tpu.memory_space<vmem>>, %arg3: memref<1x1x2048xi32, #tpu.memory_space<vmem>>, %arg4: memref<150x128xf32, #tpu.memory_space<vmem>>, %arg5: memref<1x128xf32, #tpu.memory_space<vmem>>, %arg6: memref<1x128xf32, #tpu.memory_space<vmem>>, %arg7: memref<2048x128xf32, #tpu.memory_space<vmem>>) attributes {dimension_semantics = [#tpu.dimension_semantics<arbitrary>], iteration_bounds = array<i64: 7>, scalar_prefetch = 0 : i64, scratch_operands = 0 : i64, tpu.core_type = #tpu.core_type<tc>, window_params = [{transform_indices = @transform_0, window_bounds = array<i64: 1, 1, 2048>}, {transform_indices = @transform_1, window_bounds = array<i64: 1, 1, 2048>}, {transform_indices = @transform_2, window_bounds = array<i64: 1, 1, 2048>}, {pipeline_mode = #tpu.pipeline_mode<synchronous>, transform_indices = @transform_3, window_bounds = array<i64: 150, 128>}, {pipeline_mode = #tpu.pipeline_mode<synchronous>, transform_indices = @transform_4, window_bounds = array<i64: 1, 128>}, {pipeline_mode = #tpu.pipeline_mode<synchronous>, transform_indices = @transform_5, window_bounds = array<i64: 1, 128>}, {transform_indices = @transform_6, window_bounds = array<i64: 2048, 128>}]} {
    %get3A = arith.constant 0 : index
    %get3A_0 = arith.constant 0 : index
    %get3A_1 = arith.constant 0 : index
    %get3A_2 = vector.load %arg1[%get3A, %get3A_0, %get3A_1] : memref<1x1x2048xf32, #tpu.memory_space<vmem>>, vector<1x1x2048xf32>
    %get3A_3 = vector.shape_cast %get3A_2 : vector<1x1x2048xf32> to vector<2048xf32>
    %get3A_4 = arith.constant 0 : index
    %get3A_5 = arith.constant 0 : index
    %get3A_6 = arith.constant 0 : index
    %get3A_7 = vector.load %arg2[%get3A_4, %get3A_5, %get3A_6] : memref<1x1x2048xf32, #tpu.memory_space<vmem>>, vector<1x1x2048xf32>
    %get3A_8 = vector.shape_cast %get3A_7 : vector<1x1x2048xf32> to vector<2048xf32>
    %get3A_9 = arith.constant 0 : index
    %get3A_10 = arith.constant 0 : index
    %get3A_11 = arith.constant 0 : index
    %get3A_12 = vector.load %arg3[%get3A_9, %get3A_10, %get3A_11] : memref<1x1x2048xi32, #tpu.memory_space<vmem>>, vector<1x1x2048xi32>
    %get3A_13 = vector.shape_cast %get3A_12 : vector<1x1x2048xi32> to vector<2048xi32>
    %iota3A = tpu.iota {dimensions = array<i32: 1>} : vector<2048x150xi32>
    %broadcast_in_dim3A = vector.shape_cast %get3A_13 : vector<2048xi32> to vector<2048x1xi32>
    %eq3A = vector.broadcast %broadcast_in_dim3A : vector<2048x1xi32> to vector<2048x150xi32>
    %eq3A_14 = arith.cmpi eq, %iota3A, %eq3A : vector<2048x150xi32>
    %convert_element_type3A = arith.extui %eq3A_14 : vector<2048x150xi1> to vector<2048x150xi32>
    %convert_element_type3A_15 = arith.sitofp %convert_element_type3A : vector<2048x150xi32> to vector<2048x150xf32>
    %get3A_16 = arith.constant 0 : index
    %get3A_17 = arith.constant 0 : index
    %get3A_18 = vector.load %arg4[%get3A_16, %get3A_17] : memref<150x128xf32, #tpu.memory_space<vmem>>, vector<150x128xf32>
    %dot_general3A = arith.constant dense<0.000000e+00> : vector<2048x128xf32>
    %dot_general3A_19 = tpu.matmul %convert_element_type3A_15, %get3A_18, %dot_general3A {dimension_numbers = #tpu.dot_dimension_numbers<[1], [0], [0], [1], [0, 0, 1, 1], [], []>, transpose_lhs_hint = false} : vector<2048x150xf32>, vector<150x128xf32>, vector<2048x128xf32> -> vector<2048x128xf32>
    %broadcast_in_dim3A_20 = vector.shape_cast %get3A_3 : vector<2048xf32> to vector<2048x1xf32>
    %get3A_21 = arith.constant 0 : index
    %get3A_22 = arith.constant 0 : index
    %get3A_23 = vector.load %arg5[%get3A_21, %get3A_22] : memref<1x128xf32, #tpu.memory_space<vmem>>, vector<1x128xf32>
    %get3A_24 = vector.shape_cast %get3A_23 : vector<1x128xf32> to vector<128xf32>
    %broadcast_in_dim3A_25 = vector.shape_cast %get3A_24 : vector<128xf32> to vector<1x128xf32>
    %mul3A = vector.broadcast %broadcast_in_dim3A_20 : vector<2048x1xf32> to vector<2048x128xf32>
    %mul3A_26 = vector.broadcast %broadcast_in_dim3A_25 : vector<1x128xf32> to vector<2048x128xf32>
    %mul3A_27 = arith.mulf %mul3A, %mul3A_26 : vector<2048x128xf32>
    %get3A_28 = arith.constant 0 : index
    %get3A_29 = arith.constant 0 : index
    %get3A_30 = vector.load %arg6[%get3A_28, %get3A_29] : memref<1x128xf32, #tpu.memory_space<vmem>>, vector<1x128xf32>
    %get3A_31 = vector.shape_cast %get3A_30 : vector<1x128xf32> to vector<128xf32>
    %broadcast_in_dim3A_32 = vector.shape_cast %get3A_31 : vector<128xf32> to vector<1x128xf32>
    %add3A = vector.broadcast %broadcast_in_dim3A_32 : vector<1x128xf32> to vector<2048x128xf32>
    %add3A_33 = arith.addf %mul3A_27, %add3A : vector<2048x128xf32>
    %broadcast_in_dim3A_34 = vector.shape_cast %get3A_8 : vector<2048xf32> to vector<2048x1xf32>
    %gt3A = arith.constant 5.000000e-01 : f32
    %gt3A_35 = vector.broadcast %gt3A : f32 to vector<2048x1xf32>
    %gt3A_36 = arith.cmpf ogt, %broadcast_in_dim3A_34, %gt3A_35 : vector<2048x1xf32>
    %broadcast_in_dim3A_37 = vector.shape_cast %gt3A_36 : vector<2048x1xi1> to vector<2048x1xi1>
    %broadcast_in_dim3A_38 = vector.broadcast %broadcast_in_dim3A_37 : vector<2048x1xi1> to vector<2048x128xi1>
    %select_n3A = arith.select %broadcast_in_dim3A_38, %add3A_33, %dot_general3A_19 : vector<2048x128xi1>, vector<2048x128xf32>
    %swap3A = arith.constant 0 : index
    %swap3A_39 = arith.constant 0 : index
    %swap3A_40 = vector.load %arg7[%swap3A, %swap3A_39] : memref<2048x128xf32, #tpu.memory_space<vmem>>, vector<2048x128xf32>
    tpu.vector_store %arg7[%swap3A, %swap3A_39], %select_n3A {strides = array<i32>} : memref<2048x128xf32, #tpu.memory_space<vmem>>, vector<2048x128xf32>,
    return
  }
  func.func @transform_0(%arg0: i32) -> (i32, i32, i32) {
    %add3A = arith.constant 1 : i32
    %add3A_0 = arith.addi %arg0, %add3A : i32
    %c0_i32 = arith.constant 0 : i32
    %c0_i32_1 = arith.constant 0 : i32
    %c0_i32_2 = arith.constant 0 : i32
    return %add3A_0, %c0_i32, %c0_i32_1 : i32, i32, i32
  }
  func.func @transform_1(%arg0: i32) -> (i32, i32, i32) {
    %add3A = arith.constant 1 : i32
    %add3A_0 = arith.addi %arg0, %add3A : i32
    %c0_i32 = arith.constant 0 : i32
    %c0_i32_1 = arith.constant 0 : i32
    %c0_i32_2 = arith.constant 0 : i32
    return %add3A_0, %c0_i32, %c0_i32_1 : i32, i32, i32
  }
  func.func @transform_2(%arg0: i32) -> (i32, i32, i32) {
    %add3A = arith.constant 1 : i32
    %add3A_0 = arith.addi %arg0, %add3A : i32
    %c0_i32 = arith.constant 0 : i32
    %c0_i32_1 = arith.constant 0 : i32
    %c0_i32_2 = arith.constant 0 : i32
    return %add3A_0, %c0_i32, %c0_i32_1 : i32, i32, i32
  }
  func.func @transform_3(%arg0: i32) -> (i32, i32) {
    %c0_i32 = arith.constant 0 : i32
    %c0_i32_0 = arith.constant 0 : i32
    %c0_i32_1 = arith.constant 0 : i32
    return %c0_i32, %c0_i32_0 : i32, i32
  }
  func.func @transform_4(%arg0: i32) -> (i32, i32) {
    %c0_i32 = arith.constant 0 : i32
    %c0_i32_0 = arith.constant 0 : i32
    %c0_i32_1 = arith.constant 0 : i32
    return %c0_i32, %c0_i32_0 : i32, i32
  }
  func.func @transform_5(%arg0: i32) -> (i32, i32) {
    %c0_i32 = arith.constant 0 : i32
    %c0_i32_0 = arith.constant 0 : i32
    %c0_i32_1 = arith.constant 0 : i32
    return %c0_i32, %c0_i32_0 : i32, i32
  }
  func.func @transform_6(%arg0: i32) -> (i32, i32) {
    %add3A = arith.constant 1 : i32
    %add3A_0 = arith.addi %arg0, %add3A : i32
    %c0_i32 = arith.constant 0 : i32
    %c0_i32_1 = arith.constant 0 : i32
    return %add3A_0, %c0_i32 : i32, i32
  }
}

</mosaic_0001>

<sc_bundles>
// kernel: kernel.4.cloned.1.call-start
scs
__scs_entry_jumppad:
0x0: {  	(pc) =	sbr.rel $0x88, $3  }
0x1: {  	(tag) =	ssettag $0x0;
	lr =	simm.s32 $0x1  }
0x2: {  	[smem:$0x3F9B] =	sst lr;
	_ =	strace $0xD0000000  }
0x3: {  	_ = 	snop  }
0x4: {  	_ = 	snop  }
0x5: {  	_ = 	snop  }
0x6: {  	_ = 	snop  }
0x7: {  	_ = 	snop  }
__scs_overlays_trampoline_lowered:
0x8: {  	[smem:$0x3FAA] =	sst s0  }
0x9: {  	[smem:$0x3FAB] =	sst s1  }
0xa: {  	[smem:$0x3FAC] =	sst s2  }
0xb: {  	[smem:$0x3FAD] =	sst s3  }
0xc: {  	[smem:$0x3FAE] =	sst s4  }
0xd: {  	[smem:$0x3FAF] =	sst s5  }
0xe: {  	[smem:$0x3FB0] =	sst s6  }
0xf: {  	[smem:$0x3FB1] =	sst s7  }
0x10: {  	[smem:$0x3FB2] =	sst s8  }
0x11: {  	[smem:$0x3FB3] =	sst s9;
	s0 =	simm.s32 @!p0 $0x0  }
0x12: {  	s1 =	sld [smem:$0x3F99];
	s0 =	simm.s32 @p0 $0x1  }
0x13: {  	[smem:$0x3FB4] =	sst s0;
	s0 =	simm.s32 @!p1 $0x0  }
0x14: {  	s2 =	sld [smem:$0x3F98];
	s0 =	simm.s32 @p1 $0x1  }
0x15: {  	[smem:$0x3FB5] =	sst s0;
	s0 =	simm.s32 @!p2 $0x0  }
0x16: {  	s3 =	sld [smem:$0x3FDB];
	s0 =	simm.s32 @p2 $0x1  }
0x17: {  	s4 =	simm.s32 $0x1BF5;
	[smem:$0x3FB7] =	sst s0  }
0x18: {  	s0 =	sld [smem:$0x3F9A];
	_ =	swait.ge [sflag:s4], $0x0  }
0x19: {  	s7 =	sld [smem:$0x3F9B]  }
0x1a: {  	s8 =	sadd.s32 $0xFFFFE003, lr  }
0x1b: {  	s9 =	sadd.s32 $0xFFFFFEF7, lr;
	s5 =	simm.s32 $0xFFFFFFFF;
	p2 =	slt.u32 s8, $0xFFFFF086  }
0x1c: {  	p1 =	slt.u32 s9, $0xF7A;
	s5 =	simm.s32 @!p2 $0x0  }
0x1d: {  	s5 =	simm.s32 @p1 $0x1;
	p0 =	seq.s32 s7, s2  }
0x1e: {  	s7 =	smul.u32 @!p0 $0xF7A, s2;
	p2 =	seq.s32 @!p0 s5, $0x0  }
0x1f: {  	s9 =	smul.u32 $0xF7A, s1;
	s8 =	simm.s32 @!p0 $0x1BF5;
	p2 =	por !p2, p0  }
0x20: {  	[sflag:s8] =	ssyncset.s32 @!p0 $0xFFFFF086;
	s6 =	sadd.s32 @!p0 s3, s7;
	s7 =	simm.s32 @!p0 $0x108  }
0x21: {  	s3 =	sadd.s32 s3, s9;
	s6 =	sadd.s32 @!p0 $0x88, s6;
	s7 =	simm.s32 @p2 $0x1082  }
0x22: {  	[simem:s7], [sflag:s8] =	dma.local @!p0 [hbm:s6], $0xF7A  }
0x23: {  	s9 =	sor.u32 $0xD0000000, s2;
	s6 =	simm.s32 $0x108;
	_ =	swait.ge @!p0 [sflag:s8], $0x0  }
0x24: {  	s3 =	sadd.s32 $0x88, s3;
	s6 =	simm.s32 @!p1 $0x1082;
	[sflag:s4] =	ssyncset.s32 $0xFFFFF086  }
0x25: {  	[simem:s6], [sflag:s4] =	dma.local [hbm:s3], $0xF7A  }
0x26: {  	[smem:$0x3F9B] =	sst s1;
	(tag) =	ssettag s2;
	_ =	strace s9  }
0x27: {  	s1 =	sld [smem:$0x3FAB]  }
0x28: {  	s2 =	sld [smem:$0x3FAC]  }
0x29: {  	s4 =	sld [smem:$0x3FAE]  }
0x2a: {  	p0 =	seq.s32 s5, $0x0;
	s5 =	sld [smem:$0x3FAF]  }
0x2b: {  	s6 =	sld [smem:$0x3FB0]  }
0x2c: {  	s7 =	sld [smem:$0x3FB1]  }
0x2d: {  	s3 =	simm.s32 $0x108;
	s8 =	sld [smem:$0x3FB2]  }
0x2e: {  	s3 =	simm.s32 @!p0 $0x1082;
	s9 =	sld [smem:$0x3FB3]  }
0x2f: {  	lr =	sadd.s32 s0, s3;
	s0 =	sld [smem:$0x3FAA]  }
0x30: {  	s3 =	sld [smem:$0x3FAD]  }
0x31: {  	[smem:$0x3FB6] =	sst s10  }
0x32: {  	s10 =	sld [smem:$0x3FB4];
	_ =	sdelay $0x3  }
0x33: {  	p0 =	seq.s32 s10, $0x1;
	s10 =	sld [smem:$0x3FB6];
	_ =	sdelay $0x3  }
0x34: {  	[smem:$0x3FB6] =	sst s10  }
0x35: {  	s10 =	sld [smem:$0x3FB5];
	_ =	sdelay $0x3  }
0x36: {  	p1 =	seq.s32 s10, $0x1;
	s10 =	sld [smem:$0x3FB6];
	_ =	sdelay $0x3  }
0x37: {  	[smem:$0x3FB6] =	sst s10  }
0x38: {  	s10 =	sld [smem:$0x3FB7]  }
0x39: {  	_ = 	snop;
	(pc) =	sbr.ind lr, $3  }
0x3a: {  	_ = 	snop  }
0x3b: {  	_ = 	snop  }
0x3c: {  	p2 =	seq.s32 s10, $0x1;
	s10 =	sld [smem:$0x3FB6]  }
0x3d: {  	_ =	shalt  }
0x3e: {  	_ =	shalt  }
0x3f: {  	_ =	shalt  }
0x40: {  	_ =	shalt  }
0x41: {  	_ =	shalt  }
0x42: {  	_ =	shalt  }
0x43: {  	_ =	shalt  }
0x44: {  	_ =	shalt  }
0x45: {  	_ =	shalt  }
0x46: {  	_ =	shalt  }
0x47: {  	_ =	shalt  }
0x48: {  	_ =	shalt  }
0x49: {  	_ =	shalt  }
0x4a: {  	_ =	shalt  }
0x4b: {  	_ =	shalt  }
0x4c: {  	_ =	shalt  }
0x4d: {  	_ =	shalt  }
0x4e: {  	_ =	shalt  }
0x4f: {  	_ =	shalt  }
0x50: {  	_ =	shalt  }
0x51: {  	_ =	shalt  }
0x52: {  	_ =	shalt  }
0x53: {  	_ =	shalt  }
0x54: {  	_ =	shalt  }
0x55: {  	_ =	shalt  }
0x56: {  	_ =	shalt  }
0x57: {  	_ =	shalt  }
0x58: {  	_ =	shalt  }
0x59: {  	_ =	shalt  }
0x5a: {  	_ =	shalt  }
0x5b: {  	_ =	shalt  }
0x5c: {  	_ =	shalt  }
0x5d: {  	_ =	shalt  }
0x5e: {  	_ =	shalt  }
0x5f: {  	_ =	shalt  }
0x60: {  	_ =	shalt  }
0x61: {  	_ =	shalt  }
0x62: {  	_ =	shalt  }
0x63: {  	_ =	shalt  }
0x64: {  	_ =	shalt  }
0x65: {  	_ =	shalt  }
0x66: {  	_ =	shalt  }
0x67: {  	_ =	shalt  }
0x68: {  	_ =	shalt  }
0x69: {  	_ =	shalt  }
0x6a: {  	_ =	shalt  }
0x6b: {  	_ =	shalt  }
0x6c: {  	_ =	shalt  }
0x6d: {  	_ =	shalt  }
0x6e: {  	_ =	shalt  }
0x6f: {  	_ =	shalt  }
0x70: {  	_ =	shalt  }
0x71: {  	_ =	shalt  }
0x72: {  	_ =	shalt  }
0x73: {  	_ =	shalt  }
0x74: {  	_ =	shalt  }
0x75: {  	_ =	shalt  }
0x76: {  	_ =	shalt  }
0x77: {  	_ =	shalt  }
0x78: {  	_ =	shalt  }
0x79: {  	_ =	shalt  }
0x7a: {  	_ =	shalt  }
0x7b: {  	_ =	shalt  }
0x7c: {  	_ =	shalt  }
0x7d: {  	_ =	shalt  }
0x7e: {  	_ =	shalt  }
0x7f: {  	_ =	shalt  }
0x80: {  	_ =	shalt  }
0x81: {  	_ =	shalt  }
0x82: {  	_ =	shalt  }
0x83: {  	_ =	shalt  }
0x84: {  	_ =	shalt  }
0x85: {  	_ =	shalt  }
0x86: {  	_ =	shalt  }
0x87: {  	_ =	shalt  }
.Lfunc_end0:
.L_simem_size_0:
called_computation_lowered:
.L_overlay_start_0:
0x88: {  	s0 =	sld [smem:$0x3FD9]  }
0x89: {  	s1 =	sld [smem:$0x3FFE];
	_ =	sdelay $0x3  }
0x8a: {  	s0 =	sadd.s32 s1, s0  }
0x8b: {  	[smem:$0x3FC2] =	sst s0  }
0x8c: {  	_ = 	snop  }
0x8d: {  	s0 =	sld [smem:$0x3FC9]  }
0x8e: {  	s16 =	sld [smem:$0x3FC8]  }
0x8f: {  	s2 =	sld [smem:$0x3FC7]  }
0x90: {  	s3 =	sld [smem:$0x3FC6]  }
0x91: {  	s4 =	sld [smem:$0x3FC4];
	(tm) =	ssettm $0x1  }
0x92: {  	s5 =	sld [smem:$0x3FFB];
	_ =	sdelay $0x3  }
0x93: {  	_ =	strace s5  }
0x94: {  	s5 =	sld [smem:$0x3FFC];
	_ =	sdelay $0x3  }
0x95: {  	_ =	strace s5  }
0x96: {  	s5 =	sld [smem:$0x3FFD];
	_ =	sdelay $0x3  }
0x97: {  	_ =	strace s5  }
0x98: {  	_ =	strace $0x8FFFFFFF  }
0x99: {  	s17 =	sld [smem:$0x3FDB];
	_ =	sdelay $0x1  }
0x9a: {  	s6 =	simm.s32 $_scs_section_size  }
0x9b: {  	s7 =	simm.s32 $_size__tile_overlayer_lowered;
	s8 =	simm.s32 $_tile_overlayer_lowered  }
0x9c: {  	s20 =	simm.s32 $0x1BFF;
	s19 =	sshll.u32 s8, $0x1;
	s5 =	sadd.s32 s6, s17  }
0x9d: {  	s9 =	simm.s32 $0x0;
	s18 =	sshll.u32 s7, $0x1;
	s7 =	sadd.s32 s19, s5  }
0x9e: {  	[timem:s9], [sflag:s20] =	dma.local [hbm:s7], s18  }
0x9f: {  	_ =	swait.ge [sflag:s20], s18  }
0xa0: {  	s6 =	ssub.s32 $0x0, s18;
	[sflag:s20] =	ssyncset.done $0x0  }
0xa1: {  	[sflag:s20] =	ssyncadd.s32 s6;
	_ =	sdelay $0x1  }
0xa2: {  	s21 =	simm.s32 $0x1B8B  }
0xa3: {  	_ =	swait.ge [sflag:s21], $0x1  }
0xa4: {  	[sflag:s21] =	ssyncset.done $0x0  }
0xa5: {  	s23 =	simm.s32 $0x1B8E;
	s22 =	sld [smem:$0x3FFE];
	[sflag:s21] =	ssyncadd.s32 $0xFFFFFFFF  }
0xa6: {  	s24 =	simm.s32 $execute0_lowered;
	[smem:$0x3FD2] =	sst s23  }
0xa7: {  	s7 =	sshll.u32 s24, $0x1;
	_ =	strace $0x80000046;
	[dreg:$0x1] =	wrdreg $0xFFFFFFFF  }
0xa8: {  	s25 =	simm.s32 $_size_execute0_lowered;
	s5 =	sadd.s32 s5, s7;
	[dreg:$0x0] =	wrdreg $0x0  }
0xa9: {  	s7 =	sshll.u32 s25, $0x1;
	[dreg:$0x2] =	wrdreg s5  }
0xaa: {  	[dreg:$0x3] =	wrdreg s7  }
0xab: {  	[dreg:$0x4] =	wrdreg $0xC0  }
0xac: {  	_ =	task [dreg:s9], $0x5FFFF  }
0xad: {  	[dreg:$0x1] =	wrdreg $0xFFFFFFFF  }
0xae: {  	[dreg:$0x0] =	wrdreg $0x60  }
0xaf: {  	[dreg:$0x2] =	wrdreg s0  }
0xb0: {  	[dreg:$0x3] =	wrdreg s22  }
0xb1: {  	[dreg:$0x4] =	wrdreg s4  }
0xb2: {  	[dreg:$0x5] =	wrdreg s3  }
0xb3: {  	[dreg:$0x6] =	wrdreg s16  }
0xb4: {  	[dreg:$0x7] =	wrdreg s2  }
0xb5: {  	[dreg:$0x8] =	wrdreg $0x9  }
0xb6: {  	_ =	task.clear_ibuf [dreg:s9], $0x9FFFF;
	_ =	strace $0x90000046  }
0xb7: {  	s26 =	simm.s32 $0x9;
	_ =	strace $0x80000048  }
0xb8: {  	_ =	swait.ge [sflag:s26], $0x1  }
0xb9: {  	[sflag:s26] =	ssyncadd.s32 $0xFFFFFFFF  }
0xba: {  	_ =	strace $0x90000048  }
0xbb: {  	_ =	sfence  }
0xbc: {  	s28 =	sld [smem:$0x0];
	_ =	sdelay $0x1  }
0xbd: {  	s29 =	srdreg.scid  }
0xbe: {  	s30 =	sshll.u32 s29, $0xD;
	s31 =	sshrl.u32 s29, $0x2  }
0xbf: {  	s1 =	sand.u32 $0x1, s29;
	s2 =	sand.u32 $0x4000, s30;
	s0 =	sadd.s32 s31, s28  }
0xc0: {  	s1 =	sor.u32 s2, s1;
	s0 =	sshll.u32 s0, $0x11  }
0xc1: {  	s0 =	sor.u32 s0, s1  }
0xc2: {  	s0 =	sadd.s32 $0x8F2B, s0  }
0xc3: {  	[sflag:s0] =	ssyncadd.remote.s32 $0x1  }
0xc4: {  	_ =	sfence.sel $0xFFFF  }
0xc5: {  	[dreg:$0x0] =	wrdreg $0xFFFFFFFF;
	(pc) =	sbr.abs _section_cstart, $3  }
0xc6: {  	[dreg:$0x1] =	wrdreg $0xFFFFFFFF  }
0xc7: {  	_ =	task.clear_ibuf [dreg:s9], $0x2FFFF;
	_ =	strace $0x9FFFFFFF  }
0xc8: {  	(tm) =	ssettm $0x7FFFFFFF  }
0xc9: {  	_ =	shalt  }
tec
execute0_lowered:
.L_overlay_start_1:
0x0: {  	(tag) =	ssettag $0x1  }
0x1: {  	s4 =	rddreg [dreg:$0x0]  }
0x2: {  	s3 =	rddreg [dreg:$0x1]  }
0x3: {  	s5 =	rddreg [dreg:$0x2]  }
0x4: {  	s1 =	rddreg [dreg:$0x3]  }
0x5: {  	s9 =	rddreg [dreg:$0x4]  }
0x6: {  	s10 =	rddreg [dreg:$0x5];
	s2 =	simm.s32 $0x0  }
0x7: {  	[smem:$0x7FF] =	sst s2  }
0x8: {  	s0 =	rddreg [dreg:$0x6];
	s11 =	simm.s32 $0x2;
	_ =	strace $0x80000047  }
0x9: {  	[tilespmem:s2], [sflag:$0x2] =	stream.linear.gather [hbm4b:s1+s2], $0x4B00, $0x38;
	[tilespmem:$0x8D80] =	vst v63  }
0xa: {  	s1 =	stileid.u32;
	_ =	swait.ge [sflag:s11], $0x4B00  }
0xb: {  	s6 =	sshll.u32 s1, $0x4;
	[sflag:s11] =	ssyncset.done $0x0  }
0xc: {  	s8 =	simm.s32 $0x4B00;
	s5 =	sadd.s32 s5, s6;
	[sflag:s11] =	ssyncadd.s32 $0xFFFFB500  }
0xd: {  	[tilespmem:s8], [sflag:$0x2] =	stream.linear.gather [hbm4b:s5+s2], $0x80, $0x38;
	[tilespmem:$0x8D80] =	vst v63  }
0xe: {  	_ =	swait.ge [sflag:s11], $0x80  }
0xf: {  	[sflag:s11] =	ssyncset.done $0x0  }
0x10: {  	s7 =	simm.s32 $0x4B80;
	s4 =	sadd.s32 s4, s6;
	[sflag:s11] =	ssyncadd.s32 $0xFFFFFF80  }
0x11: {  	[tilespmem:s7], [sflag:$0x2] =	stream.linear.gather [hbm4b:s4+s2], $0x80, $0x38;
	[tilespmem:$0x8D80] =	vst v63  }
0x12: {  	_ =	swait.ge [sflag:s11], $0x80  }
0x13: {  	s21 =	sadd.s32 s6, s3;
	[sflag:s11] =	ssyncset.done $0x0  }
0x14: {  	s6 =	simm.s32 $0x4C00;
	s4 =	sadd.s32 $0x1000, s21;
	[sflag:s11] =	ssyncadd.s32 $0xFFFFFF80  }
0x15: {  	[tilespmem:s6], [sflag:$0x2] =	stream.linear.gather [hbm4b:s4+s2], $0x80, $0x38;
	[tilespmem:$0x8D80] =	vst v63  }
0x16: {  	_ =	swait.ge [sflag:s11], $0x80  }
0x17: {  	[sflag:s11] =	ssyncset.done $0x0  }
0x18: {  	s22 =	simm.s32 $0x4C80;
	[sflag:s11] =	ssyncadd.s32 $0xFFFFFF80  }
0x19: {  	[tilespmem:s22], [sflag:$0x2] =	stream.linear.gather [hbm4b:s9+s2], $0x80, $0x38;
	[tilespmem:$0x8D80] =	vst v63  }
0x1a: {  	_ =	swait.ge [sflag:s11], $0x80  }
0x1b: {  	[sflag:s11] =	ssyncset.done $0x0  }
0x1c: {  	s23 =	simm.s32 $0x4D00;
	[sflag:s11] =	ssyncadd.s32 $0xFFFFFF80  }
0x1d: {  	[tilespmem:s23], [sflag:$0x2] =	stream.linear.gather [hbm4b:s10+s2], $0x80, $0x38;
	[tilespmem:$0x8D80] =	vst v63  }
0x1e: {  	_ =	swait.ge [sflag:s11], $0x80  }
0x1f: {  	[sflag:s11] =	ssyncset.done $0x0  }
0x20: {  	[sflag:s11] =	ssyncadd.s32 $0xFFFFFF80  }
0x21: {  	v22 =	vld [tilespmem:$0x4C80]  }
0x22: {  	v19 =	vld [tilespmem:$0x4C90]  }
0x23: {  	v13 =	vld [tilespmem:$0x4CA0]  }
0x24: {  	v10 =	vld [tilespmem:$0x4CB0]  }
0x25: {  	v7 =	vld [tilespmem:$0x4CC0]  }
0x26: {  	s24 =	simm.s32 $0x2;
	v4 =	vld [tilespmem:$0x4CD0]  }
0x27: {  	s25 =	simm.s32 $0x1;
	v2 =	vmov s24;
	v1 =	vld [tilespmem:$0x4CE0]  }
0x28: {  	s26 =	simm.s32 $0x3;
	v3 =	vmov s2;
	v5 =	vmov s25;
	v2 =	vand.u32 $0xFFFFFFFE, v2;
	v0 =	vld [tilespmem:$0x4CF0]  }
0x29: {  	v6 =	vmov s26;
	v5 =	vand.u32 $0xFFFFFFFD, v5;
	v9 =	vbroadcast v2, $0x0;
	v21 =	vld [tilespmem:$0x4D00]  }
0x2a: {  	v2 =	vand.u32 $0xFFFFFFFC, v3;
	v3 =	vbroadcast v5, $0x0;
	v18 =	vld [tilespmem:$0x4D10]  }
0x2b: {  	v12 =	vbroadcast v2, $0x0;
	v14 =	vld [tilespmem:$0x4D20]  }
0x2c: {  	v11 =	vld [tilespmem:$0x4D30]  }
0x2d: {  	v8 =	vld [tilespmem:$0x4D40]  }
0x2e: {  	v2 =	vld.idx.msk [tilespmem:v6+s7+$0x0], $0xffff  }
0x2f: {  	v15 =	vld.idx.msk [tilespmem:v9+s8+$0x0], $0xffff  }
0x30: {  	v16 =	vld.idx.msk [tilespmem:v3+s8+$0x0], $0xffff  }
0x31: {  	v17 =	vld.idx.msk [tilespmem:v12+s8+$0x0], $0xffff  }
0x32: {  	v20 =	vld.idx.msk [tilespmem:v6+s8+$0x0], $0xffff  }
0x33: {  	v33 =	vld.idx.msk [tilespmem:v6+s6+$0x0], $0xffff  }
0x34: {  	v26 =	vlaneseq.u32;
	v34 =	vld.idx.msk [tilespmem:v12+s6+$0x0], $0xffff;
	v29 =	vshll.u32 v15, $0x7  }
0x35: {  	v27 =	vld.idx.msk [tilespmem:v12+s7+$0x0], $0xffff;
	v28 =	vshll.u32 v16, $0x7;
	v6 =	vor.u32 v26, v29  }
0x36: {  	v25 =	vld.idx.msk [tilespmem:v9+s7+$0x0], $0xffff;
	v32 =	vshll.u32 v17, $0x7;
	v12 =	vor.u32 v26, v28  }
0x37: {  	v30 =	vld.idx.msk [tilespmem:v3+s7+$0x0], $0xffff;
	v31 =	vshll.u32 v20, $0x7;
	v15 =	vor.u32 v26, v32  }
0x38: {  	v35 =	vld.idx.msk [tilespmem:v3+s6+$0x0], $0xffff;
	v16 =	vor.u32 v26, v31  }
0x39: {  	s28 =	simm.s32 $0x4;
	s29 =	simm.s32 $0x7;
	v24 =	vor.u32 $0x10, v26;
	v3 =	vld.idx.msk [tilespmem:v9+s6+$0x0], $0xffff  }
0x3a: {  	v23 =	vor.u32 $0x20, v26;
	v48 =	vmov s28;
	v44 =	vmov s29;
	v9 =	vld.idx.msk [tilespmem:v6+s2+$0x0], $0xffff  }
0x3b: {  	v50 =	vand.u32 $0xFFFFFFFC, v48;
	v20 =	vor.u32 $0x30, v26;
	v12 =	vld.idx.msk [tilespmem:v12+s2+$0x0], $0xffff;
	v6 =	vmul.f32 v25, v22  }
0x3c: {  	v36 =	vmul.f32 v2, v22;
	v38 =	vmul.f32 v30, v22;
	v39 =	vor.u32 v24, v29;
	v15 =	vld.idx.msk [tilespmem:v15+s2+$0x0], $0xffff  }
0x3d: {  	v41 =	vor.u32 v24, v28;
	v40 =	vld.idx.msk [tilespmem:v16+s2+$0x0], $0xffff;
	v16 =	vmul.f32 v27, v22;
	v42 =	vadd.f32 v6, v21  }
0x3e: {  	v5 =	vld [tilespmem:$0x4D50];
	vm1 =	vgt.f32 v3, $5.000000000e-01;
	v43 =	vor.u32 v24, v32;
	v38 =	vadd.f32 v38, v21  }
0x3f: {  	s5 =	simm.s32 $0x4E80;
	v3 =	vld [tilespmem:$0x4D70];
	vm3 =	vgt.f32 v35, $5.000000000e-01;
	v52 =	vadd.f32 v16, v21;
	v9 =	vsel vm1, v42, v9  }
0x40: {  	vm0 =	vgt.f32 v34, $5.000000000e-01;
	v37 =	vor.u32 v24, v31;
	v6 =	vld [tilespmem:$0x4D60];
	v12 =	vsel vm3, v38, v12;
	[tilespmem:s5+$0x0] =	vst v9  }
0x41: {  	v17 =	vor.u32 $0x40, v26;
	v36 =	vadd.f32 v36, v21;
	v9 =	vsel vm0, v52, v15;
	[tilespmem:s5+$0xFFFFFF80] =	vst v12;
	v15 =	vld.idx.msk [tilespmem:v39+s2+$0x0], $0xffff  }
0x42: {  	vm2 =	vgt.f32 v33, $5.000000000e-01;
	v55 =	vmul.f32 v25, v19;
	v56 =	vmul.f32 v30, v19;
	[tilespmem:s5+$0xFFFFFF00] =	vst v9;
	v53 =	vld.idx.msk [tilespmem:v41+s2+$0x0], $0xffff  }
0x43: {  	v59 =	vmul.f32 v27, v19;
	v61 =	vmul.f32 v2, v19;
	v54 =	vsel vm2, v36, v40;
	v57 =	vld.idx.msk [tilespmem:v43+s2+$0x0], $0xffff  }
0x44: {  	v46 =	vmul.f32 v2, v13;
	v58 =	vor.u32 v23, v29;
	v35 =	vadd.f32 v55, v18;
	[tilespmem:s5+$0x80] =	vst v54  }
0x45: {  	v60 =	vor.u32 v23, v28;
	v62 =	vor.u32 v23, v32;
	v36 =	vadd.f32 v56, v18;
	v37 =	vld.idx.msk [tilespmem:v37+s2+$0x0], $0xffff  }
0x46: {  	v63 =	vor.u32 v23, v31;
	v39 =	vadd.f32 v59, v18;
	v15 =	vsel vm1, v35, v15  }
0x47: {  	v45 =	vor.u32 v20, v32;
	v48 =	vor.u32 v17, v28;
	v33 =	vsel vm3, v36, v53;
	[tilespmem:s5+$0x10] =	vst v15  }
0x48: {  	v56 =	vmul.f32 v27, v13;
	v15 =	vadd.f32 v61, v18;
	v38 =	vsel vm0, v39, v57;
	[tilespmem:s5+$0xFFFFFF90] =	vst v33  }
0x49: {  	v55 =	vor.u32 v20, v29;
	v40 =	vmul.f32 v2, v4;
	v49 =	vld.idx.msk [tilespmem:v58+s2+$0x0], $0xffff;
	[tilespmem:s5+$0xFFFFFF10] =	vst v38;
	v38 =	vbroadcast v50, $0x0  }
0x4a: {  	v52 =	vmul.f32 v25, v13;
	v47 =	vadd.f32 v56, v14;
	v51 =	vld.idx.msk [tilespmem:v60+s2+$0x0], $0xffff;
	v15 =	vsel vm2, v15, v37  }
0x4b: {  	v59 =	vor.u32 v20, v31;
	v54 =	vld.idx.msk [tilespmem:v62+s2+$0x0], $0xffff;
	[tilespmem:s5+$0x90] =	vst v15;
	v15 =	vmul.f32 v30, v13  }
0x4c: {  	s30 =	simm.s32 $0x5;
	v41 =	vmul.f32 v2, v1;
	v34 =	vadd.f32 v52, v14;
	v57 =	vor.u32 v20, v28;
	v35 =	vld.idx.msk [tilespmem:v63+s2+$0x0], $0xffff  }
0x4d: {  	v43 =	vmul.f32 v2, v7;
	v53 =	vmov s30;
	v58 =	vadd.f32 v15, v14;
	v15 =	vld.idx.msk [tilespmem:v44+s7+$0x0], $0xffff  }
0x4e: {  	v52 =	vmul.f32 v27, v10;
	v37 =	vand.u32 $0xFFFFFFFD, v53;
	v33 =	vsel vm1, v34, v49;
	v34 =	vld.idx.msk [tilespmem:v44+s6+$0x0], $0xffff  }
0x4f: {  	v60 =	vadd.f32 v46, v14;
	v39 =	vbroadcast v37, $0x0;
	v36 =	vsel vm3, v58, v51;
	[tilespmem:s5+$0x20] =	vst v33;
	v37 =	vld.idx.msk [tilespmem:v38+s6+$0x0], $0xffff  }
0x50: {  	v16 =	vor.u32 $0x50, v26;
	v63 =	vmul.f32 v25, v10;
	v61 =	vsel vm0, v47, v54;
	[tilespmem:s5+$0xFFFFFFA0] =	vst v36;
	v62 =	vld.idx.msk [tilespmem:v55+s2+$0x0], $0xffff  }
0x51: {  	v12 =	vor.u32 $0x60, v26;
	v50 =	vmul.f32 v30, v10;
	v46 =	vor.u32 v17, v31;
	[tilespmem:s5+$0xFFFFFF20] =	vst v61;
	v51 =	vld.idx.msk [tilespmem:v57+s2+$0x0], $0xffff  }
0x52: {  	v53 =	vadd.f32 v63, v11;
	v49 =	vor.u32 v17, v32;
	v33 =	vsel vm2, v60, v35;
	v35 =	vld.idx.msk [tilespmem:v45+s2+$0x0], $0xffff  }
0x53: {  	v9 =	vor.u32 $0x70, v26;
	v54 =	vmul.f32 v2, v10;
	v47 =	vor.u32 v17, v29;
	v36 =	vld.idx.msk [tilespmem:v44+s8+$0x0], $0xffff;
	[tilespmem:s5+$0xA0] =	vst v33  }
0x54: {  	s31 =	simm.s32 $0x6;
	vm0 =	vmmov vm0;
	v55 =	vadd.f32 v50, v11;
	v50 =	vadd.f32 v52, v11;
	v45 =	vld.idx.msk [tilespmem:v59+s2+$0x0], $0xffff  }
0x55: {  	v52 =	vmov s31;
	v44 =	vld.idx.msk [tilespmem:v39+s8+$0x0], $0xffff;
	v33 =	vmul.f32 v15, v19;
	v56 =	vsel vm1, v53, v62  }
0x56: {  	s3 =	sadd.s32 $0x1800, s3;
	s4 =	simm.s32 $0x4E80;
	s9 =	simm.s32 $0x8;
	v42 =	vmul.f32 v15, v22;
	v53 =	vsel vm3, v55, v51;
	[tilespmem:s5+$0x30] =	vst v56;
	v51 =	vadd.f32 v54, v11  }
.LBB2_1:
0x57: {  	v50 =	vsel vm0, v50, v35  }
0x58: {  	p0 =	slt.u32 s9, $0x7C;
	v52 =	vand.u32 $0xFFFFFFFE, v52;
	[tilespmem:s5+$0xFFFFFFB0] =	vst v53;
	v47 =	vld.idx.msk [tilespmem:v47+s2+$0x0], $0xffff;
	v35 =	vor.u32 v9, v31;
	v53 =	vmul.f32 v30, v7  }
0x59: {  	v52 =	vbroadcast v52, $0x0;
	[tilespmem:s5+$0xFFFFFF30] =	vst v50;
	v48 =	vld.idx.msk [tilespmem:v48+s2+$0x0], $0xffff;
	v45 =	vsel vm2, v51, v45;
	v50 =	vor.u32 v12, v31  }
0x5a: {  	v51 =	vmul.f32 v25, v7;
	v49 =	vld.idx.msk [tilespmem:v49+s2+$0x0], $0xffff;
	[tilespmem:s5+$0xB0] =	vst v45;
	v45 =	vor.u32 v16, v31;
	v31 =	vshll.u32 v36, $0x7  }
0x5b: {  	v54 =	vor.u32 v16, v29;
	v56 =	vmul.f32 v27, v7;
	v36 =	vor.u32 v24, v31;
	v46 =	vld.idx.msk [tilespmem:v46+s2+$0x0], $0xffff  }
0x5c: {  	v57 =	vor.u32 v16, v28;
	v59 =	vor.u32 v16, v32;
	v51 =	vadd.f32 v51, v8;
	v55 =	vld.idx.msk [tilespmem:v38+s7+$0x0], $0xffff  }
0x5d: {  	v61 =	vmul.f32 v27, v0;
	v53 =	vadd.f32 v53, v8;
	v58 =	vor.u32 v26, v31;
	v38 =	vld.idx.msk [tilespmem:v38+s8+$0x0], $0xffff  }
0x5e: {  	v43 =	vadd.f32 v43, v8;
	v56 =	vadd.f32 v56, v8;
	v47 =	vsel vm1, v51, v47;
	v60 =	vld.idx.msk [tilespmem:v39+s6+$0x0], $0xffff  }
0x5f: {  	vm6 =	vmmov vm3;
	v41 =	vadd.f32 v41, v6;
	v48 =	vsel vm3, v53, v48;
	v51 =	vld.idx.msk [tilespmem:v52+s8+$0x0], $0xffff;
	[tilespmem:s5+$0x40] =	vst v47  }
0x60: {  	v44 =	vshll.u32 v44, $0x7;
	v53 =	vmul.f32 v27, v1;
	v47 =	vsel vm0, v56, v49;
	[tilespmem:s5+$0xFFFFFFC0] =	vst v48;
	v48 =	vld.idx.msk [tilespmem:v54+s2+$0x0], $0xffff  }
0x61: {  	vm7 =	vmmov vm1;
	v49 =	vor.u32 v26, v44;
	v43 =	vsel vm2, v43, v46;
	[tilespmem:s5+$0xFFFFFF40] =	vst v47;
	v47 =	vld.idx.msk [tilespmem:v57+s2+$0x0], $0xffff  }
0x62: {  	vm4 =	vmmov vm2;
	v27 =	vmul.f32 v27, v4;
	v54 =	vmul.f32 v25, v4;
	v46 =	vld.idx.msk [tilespmem:v59+s2+$0x0], $0xffff;
	[tilespmem:s5+$0xC0] =	vst v43  }
0x63: {  	v40 =	vadd.f32 v40, v5;
	v56 =	vor.u32 v12, v29;
	v43 =	vmul.f32 v30, v4;
	v45 =	vld.idx.msk [tilespmem:v45+s2+$0x0], $0xffff  }
0x64: {  	v57 =	vor.u32 v12, v28;
	v54 =	vadd.f32 v54, v5;
	v39 =	vld.idx.msk [tilespmem:v39+s7+$0x0], $0xffff  }
0x65: {  	v62 =	vor.u32 v12, v32;
	v59 =	vmul.f32 v55, v19;
	v43 =	vadd.f32 v43, v5;
	v58 =	vld.idx.msk [tilespmem:v58+s2+$0x0], $0xffff  }
0x66: {  	v63 =	vadd.f32 v27, v5;
	v27 =	vmovc v55;
	v51 =	vshll.u32 v51, $0x7;
	v48 =	vsel vm7, v54, v48;
	v49 =	vld.idx.msk [tilespmem:v49+s2+$0x0], $0xffff  }
0x67: {  	v55 =	vor.u32 v26, v51;
	v43 =	vsel vm6, v43, v47;
	v54 =	vld.idx.msk [tilespmem:v52+s7+$0x0], $0xffff;
	[tilespmem:s5+$0x50] =	vst v48  }
0x68: {  	v42 =	vadd.f32 v42, v21;
	v38 =	vshll.u32 v38, $0x7;
	v46 =	vsel vm0, v63, v46;
	[tilespmem:s5+$0xFFFFFFD0] =	vst v43;
	v43 =	vld.idx.msk [tilespmem:v56+s2+$0x0], $0xffff  }
0x69: {  	v47 =	vor.u32 v26, v38;
	v40 =	vsel vm4, v40, v45;
	[tilespmem:s5+$0xFFFFFF50] =	vst v46;
	v46 =	vld.idx.msk [tilespmem:v57+s2+$0x0], $0xffff  }
0x6a: {  	vm5 =	vgt.f32 v37, $5.000000000e-01;
	v37 =	vmul.f32 v27, v22;
	v48 =	vmul.f32 v25, v1;
	v45 =	vld.idx.msk [tilespmem:v62+s2+$0x0], $0xffff;
	[tilespmem:s5+$0xD0] =	vst v40  }
0x6b: {  	v29 =	vor.u32 v9, v29;
	v40 =	vld.idx.msk [tilespmem:v52+s6+$0x0], $0xffff;
	v52 =	vmul.f32 v30, v1;
	v30 =	vmul.f32 v30, v0  }
0x6c: {  	v32 =	vor.u32 v9, v32;
	v28 =	vor.u32 v9, v28;
	v48 =	vadd.f32 v48, v6;
	v55 =	vld.idx.msk [tilespmem:v55+s2+$0x0], $0xffff  }
0x6d: {  	v56 =	vmul.f32 v39, v22;
	v57 =	vmul.f32 v39, v19;
	v52 =	vadd.f32 v52, v6;
	v50 =	vld.idx.msk [tilespmem:v50+s2+$0x0], $0xffff  }
0x6e: {  	v53 =	vadd.f32 v53, v6;
	v62 =	vmul.f32 v54, v22;
	v43 =	vsel vm7, v48, v43;
	v47 =	vld.idx.msk [tilespmem:v47+s2+$0x0], $0xffff  }
0x6f: {  	v63 =	vor.u32 v24, v51;
	v48 =	vor.u32 v24, v44;
	v46 =	vsel vm6, v52, v46;
	[tilespmem:s5+$0x60] =	vst v43  }
0x70: {  	vm3 =	vgt.f32 v60, $5.000000000e-01;
	v43 =	vadd.f32 v62, v21;
	v45 =	vsel vm0, v53, v45;
	[tilespmem:s5+$0xFFFFFFE0] =	vst v46;
	v29 =	vld.idx.msk [tilespmem:v29+s2+$0x0], $0xffff  }
0x71: {  	v52 =	vadd.f32 v56, v21;
	v46 =	vor.u32 v24, v38;
	vm1 =	vgt.f32 v40, $5.000000000e-01;
	[tilespmem:s5+$0xFFFFFF60] =	vst v45;
	v40 =	vld.idx.msk [tilespmem:v28+s2+$0x0], $0xffff  }
0x72: {  	v25 =	vmul.f32 v25, v0;
	v53 =	vadd.f32 v37, v21;
	v37 =	vsel vm1, v43, v55;
	s5 =	sadd.s32 $0x200, s5;
	v32 =	vld.idx.msk [tilespmem:v32+s2+$0x0], $0xffff  }
0x73: {  	v43 =	vsel vm3, v52, v49;
	v41 =	vsel vm4, v41, v50;
	[tilespmem:s5+$0x0] =	vst v37;
	v37 =	vadd.f32 v61, v3  }
0x74: {  	vm2 =	vgt.f32 v34, $5.000000000e-01;
	v25 =	vadd.f32 v25, v3;
	v47 =	vsel vm5, v53, v47;
	[tilespmem:s5+$0xFFFFFF80] =	vst v43;
	v43 =	vld.idx.msk [tilespmem:v63+s2+$0x0], $0xffff  }
0x75: {  	v42 =	vsel vm2, v42, v58;
	v45 =	vadd.f32 v30, v3;
	v28 =	vmov v44;
	[tilespmem:s5+$0xFFFFFF00] =	vst v47;
	v34 =	vld.idx.msk [tilespmem:v48+s2+$0x0], $0xffff  }
0x76: {  	v30 =	vmov v39;
	v25 =	vsel vm7, v25, v29;
	v44 =	vld.idx.msk [tilespmem:v46+s2+$0x0], $0xffff;
	v46 =	vmul.f32 v54, v19;
	[tilespmem:s5+$0x80] =	vst v42  }
0x77: {  	v39 =	vor.u32 v23, v51;
	v29 =	vmov v51;
	v40 =	vsel vm6, v45, v40;
	v36 =	vld.idx.msk [tilespmem:v36+s2+$0x0], $0xffff;
	[tilespmem:s4+$0x70] =	vst v25  }
0x78: {  	v42 =	vor.u32 v23, v28;
	v32 =	vsel vm0, v37, v32;
	v45 =	vadd.f32 v46, v18;
	[tilespmem:s4+$0xE0] =	vst v41  }
0x79: {  	v37 =	vor.u32 v23, v38;
	v41 =	vadd.f32 v57, v18;
	v25 =	vmov v54;
	[tilespmem:s4+$0xFFFFFFF0] =	vst v40;
	v35 =	vld.idx.msk [tilespmem:v35+s2+$0x0], $0xffff  }
0x7a: {  	v40 =	vadd.f32 v59, v18;
	v43 =	vsel vm1, v45, v43;
	v45 =	vor.u32 v23, v31;
	[tilespmem:s4+$0xFFFFFF70] =	vst v32  }
0x7b: {  	s10 =	sadd.s32 $0x3, s9;
	v33 =	vadd.f32 v33, v18;
	v47 =	vsel vm3, v41, v34;
	v34 =	vmul.f32 v2, v0;
	[tilespmem:s5+$0x10] =	vst v43  }
0x7c: {  	v46 =	vmov s10;
	v41 =	vmov s9;
	v32 =	vmovc v38;
	v2 =	vmovc v15;
	v40 =	vsel vm5, v40, v44;
	[tilespmem:s5+$0xFFFFFF90] =	vst v47;
	v39 =	vld.idx.msk [tilespmem:v39+s2+$0x0], $0xffff  }
0x7d: {  	s10 =	sadd.s32 $0x1, s9;
	v15 =	vand.u32 $0xFFFFFFFC, v41;
	v33 =	vsel vm2, v33, v36;
	v34 =	vadd.f32 v34, v3;
	[tilespmem:s5+$0xFFFFFF10] =	vst v40;
	v40 =	vld.idx.msk [tilespmem:v42+s2+$0x0], $0xffff  }
0x7e: {  	v38 =	vbroadcast v15, $0x0;
	v36 =	vmov s10;
	v15 =	vmul.f32 v25, v13;
	v37 =	vld.idx.msk [tilespmem:v37+s2+$0x0], $0xffff;
	[tilespmem:s5+$0x90] =	vst v33  }
0x7f: {  	v42 =	vor.u32 v20, v29;
	v33 =	vmul.f32 v30, v13;
	v34 =	vsel vm4, v34, v35;
	v43 =	vld.idx.msk [tilespmem:v45+s2+$0x0], $0xffff  }
0x80: {  	v44 =	vor.u32 v20, v28;
	v35 =	vmul.f32 v27, v13;
	v41 =	vadd.f32 v15, v14;
	[tilespmem:s4+$0xF0] =	vst v34;
	s4 =	smov.u32 s5  }
0x81: {  	v45 =	vmul.f32 v2, v13;
	v34 =	vor.u32 v20, v32;
	v33 =	vadd.f32 v33, v14;
	v15 =	vld.idx.msk [tilespmem:v46+s7+$0x0], $0xffff  }
0x82: {  	v48 =	vor.u32 v20, v31;
	v35 =	vadd.f32 v35, v14;
	v39 =	vsel vm1, v41, v39  }
0x83: {  	v45 =	vadd.f32 v45, v14;
	v41 =	vmul.f32 v2, v1;
	v33 =	vsel vm3, v33, v40;
	[tilespmem:s5+$0x20] =	vst v39  }
0x84: {  	v36 =	vand.u32 $0xFFFFFFFD, v36;
	v40 =	vmul.f32 v2, v4;
	v35 =	vsel vm5, v35, v37;
	[tilespmem:s5+$0xFFFFFFA0] =	vst v33;
	v51 =	vld.idx.msk [tilespmem:v42+s2+$0x0], $0xffff  }
0x85: {  	v39 =	vbroadcast v36, $0x0;
	v33 =	vsel vm2, v45, v43;
	v43 =	vmul.f32 v2, v7;
	[tilespmem:s5+$0xFFFFFF20] =	vst v35;
	v53 =	vld.idx.msk [tilespmem:v44+s2+$0x0], $0xffff  }
0x86: {  	vm0 =	vmmov vm5;
	v54 =	vmul.f32 v2, v10;
	v35 =	vld.idx.msk [tilespmem:v34+s2+$0x0], $0xffff;
	v34 =	vmul.f32 v25, v10;
	[tilespmem:s5+$0xA0] =	vst v33  }
.Ltmp0:
0x87: {  	v47 =	vor.u32 v17, v29;
	v37 =	vmul.f32 v30, v10;
	v33 =	vmul.f32 v15, v19;
	v45 =	vld.idx.msk [tilespmem:v48+s2+$0x0], $0xffff;
	(pc) =	sbr.rel @p0 .LBB2_1-.Ltmp0, $4  }
0x88: {  	v44 =	vmul.f32 v27, v10;
	v48 =	vor.u32 v17, v28;
	v36 =	vld.idx.msk [tilespmem:v46+s8+$0x0], $0xffff;
	v52 =	vadd.f32 v34, v11  }
0x89: {  	v49 =	vor.u32 v17, v32;
	v55 =	vadd.f32 v37, v11;
	v42 =	vmul.f32 v15, v22;
	v34 =	vld.idx.msk [tilespmem:v46+s6+$0x0], $0xffff  }
0x8a: {  	s10 =	sadd.s32 $0x2, s9;
	v50 =	vadd.f32 v44, v11;
	v46 =	vor.u32 v17, v31;
	v37 =	vld.idx.msk [tilespmem:v38+s6+$0x0], $0xffff;
	v51 =	vsel vm1, v52, v51  }
0x8b: {  	s9 =	sadd.s32 $0x4, s9;
	v52 =	vmov s10;
	v53 =	vsel vm3, v55, v53;
	v44 =	vld.idx.msk [tilespmem:v39+s8+$0x0], $0xffff;
	[tilespmem:s5+$0x30] =	vst v51;
	v51 =	vadd.f32 v54, v11  }
0x8c: {  	_ =	sdelay $0x2  }
0x8d: {  	v50 =	vsel vm0, v50, v35;
	[tilespmem:s5+$0xFFFFFFB0] =	vst v53;
	v61 =	vor.u32 v9, v31  }
0x8e: {  	v52 =	vand.u32 $0xFFFFFFFE, v52;
	v47 =	vld.idx.msk [tilespmem:v47+s2+$0x0], $0xffff;
	v62 =	vmul.f32 v25, v7;
	v63 =	vmul.f32 v30, v7;
	[tilespmem:$0x1FFF0] =	vst v61  }
0x8f: {  	v55 =	vor.u32 v16, v29;
	v56 =	vmul.f32 v27, v7;
	v52 =	vbroadcast v52, $0x0;
	v48 =	vld.idx.msk [tilespmem:v48+s2+$0x0], $0xffff  }
0x90: {  	v57 =	vor.u32 v16, v28;
	v60 =	vor.u32 v16, v32;
	v43 =	vadd.f32 v43, v8;
	v35 =	vld.idx.msk [tilespmem:v38+s7+$0x0], $0xffff  }
0x91: {  	v42 =	vadd.f32 v42, v21;
	v45 =	vsel vm2, v51, v45;
	[tilespmem:s5+$0xFFFFFF30] =	vst v50;
	v58 =	vld.idx.msk [tilespmem:v38+s8+$0x0], $0xffff  }
0x92: {  	v33 =	vadd.f32 v33, v18;
	v36 =	vshll.u32 v36, $0x7;
	[tilespmem:s5+$0xB0] =	vst v45;
	v51 =	vadd.f32 v62, v8;
	v49 =	vld.idx.msk [tilespmem:v49+s2+$0x0], $0xffff  }
0x93: {  	v50 =	vor.u32 v12, v31;
	v45 =	vor.u32 v16, v31;
	v53 =	vadd.f32 v63, v8;
	v46 =	vld.idx.msk [tilespmem:v46+s2+$0x0], $0xffff  }
0x94: {  	v54 =	vor.u32 v24, v36;
	v59 =	vor.u32 v26, v36;
	v61 =	vld.idx.msk [tilespmem:v39+s6+$0x0], $0xffff;
	v31 =	vsel vm1, v51, v47  }
0x95: {  	v56 =	vadd.f32 v56, v8;
	v38 =	vshll.u32 v44, $0x7;
	[tilespmem:s5+$0x40] =	vst v31;
	v53 =	vsel vm3, v53, v48;
	v48 =	vld.idx.msk [tilespmem:v52+s8+$0x0], $0xffff  }
0x96: {  	v62 =	vmul.f32 v27, v0;
	v51 =	vor.u32 v26, v38;
	v31 =	vmul.f32 v25, v4;
	v47 =	vld.idx.msk [tilespmem:v55+s2+$0x0], $0xffff  }
0x97: {  	v55 =	vmul.f32 v30, v4;
	v56 =	vsel vm0, v56, v49;
	[tilespmem:s5+$0xFFFFFFC0] =	vst v53;
	v49 =	vadd.f32 v41, v6  }
0x98: {  	v63 =	vsel vm2, v43, v46;
	v43 =	vmul.f32 v27, v1;
	v53 =	vadd.f32 v31, v5;
	v31 =	vld.idx.msk [tilespmem:v39+s7+$0x0], $0xffff  }
0x99: {  	vm11 =	vmmov vm3;
	v41 =	vmul.f32 v27, v4;
	[tilespmem:s5+$0xFFFFFF40] =	vst v56;
	v44 =	vld.idx.msk [tilespmem:v57+s2+$0x0], $0xffff;
	v56 =	vor.u32 v12, v29  }
0x9a: {  	vm4 =	vmmov vm1;
	[tilespmem:s5+$0xC0] =	vst v63;
	v57 =	vadd.f32 v40, v5;
	v63 =	vmul.f32 v35, v19;
	v46 =	vld.idx.msk [tilespmem:v60+s2+$0x0], $0xffff  }
0x9b: {  	v55 =	vadd.f32 v55, v5;
	v45 =	vld.idx.msk [tilespmem:v45+s2+$0x0], $0xffff;
	v39 =	vadd.f32 v41, v5;
	v40 =	vshll.u32 v48, $0x7  }
0x9c: {  	v41 =	vshll.u32 v58, $0x7;
	v53 =	vsel vm4, v53, v47;
	v47 =	vld.idx.msk [tilespmem:v52+s7+$0x0], $0xffff;
	v27 =	vor.u32 v26, v40  }
0x9d: {  	vm12 =	vmmov vm2;
	v29 =	vor.u32 v9, v29;
	v52 =	vld.idx.msk [tilespmem:v52+s6+$0x0], $0xffff;
	[tilespmem:s5+$0x50] =	vst v53;
	v53 =	vor.u32 v26, v41  }
0x9e: {  	v60 =	vor.u32 v12, v28;
	v51 =	vld.idx.msk [tilespmem:v51+s2+$0x0], $0xffff;
	v58 =	vmul.f32 v25, v1;
	v43 =	vadd.f32 v43, v6  }
0x9f: {  	v48 =	vor.u32 v12, v32;
	v26 =	vor.u32 v9, v32;
	v32 =	vld.idx.msk [tilespmem:v56+s2+$0x0], $0xffff;
	v39 =	vsel vm0, v39, v46  }
0xa0: {  	vm5 =	vgt.f32 v61, $5.000000000e-01;
	v61 =	vadd.f32 v63, v18;
	v46 =	vmul.f32 v35, v22;
	[tilespmem:s5+$0xFFFFFF50] =	vst v39;
	v39 =	vld.idx.msk [tilespmem:v59+s2+$0x0], $0xffff  }
0xa1: {  	v44 =	vsel vm11, v55, v44;
	v56 =	vmul.f32 v47, v22;
	v22 =	vmul.f32 v31, v22;
	v27 =	vld.idx.msk [tilespmem:v27+s2+$0x0], $0xffff  }
0xa2: {  	[tilespmem:s5+$0xFFFFFFD0] =	vst v44;
	v44 =	vsel vm12, v57, v45;
	vm13 =	vgt.f32 v52, $5.000000000e-01;
	v52 =	vor.u32 v24, v38;
	v53 =	vld.idx.msk [tilespmem:v53+s2+$0x0], $0xffff  }
0xa3: {  	v45 =	vadd.f32 v58, v6;
	v58 =	vor.u32 v24, v40;
	v59 =	vld.idx.msk [tilespmem:v60+s2+$0x0], $0xffff;
	v22 =	vadd.f32 v22, v21  }
0xa4: {  	v55 =	vmul.f32 v30, v1;
	v24 =	vor.u32 v24, v41;
	v56 =	vadd.f32 v56, v21  }
0xa5: {  	s26 =	sadd.s32 $0x200, s5;
	[tilespmem:s5+$0xD0] =	vst v44;
	v60 =	vld.idx.msk [tilespmem:v48+s2+$0x0], $0xffff;
	v46 =	vadd.f32 v46, v21;
	v22 =	vsel vm5, v22, v51  }
0xa6: {  	vm7 =	vgt.f32 v37, $5.000000000e-01;
	v55 =	vadd.f32 v55, v6;
	v37 =	vld.idx.msk [tilespmem:v50+s2+$0x0], $0xffff;
	[tilespmem:s26+$0xFFFFFF80] =	vst v22;
	v27 =	vsel vm13, v56, v27  }
0xa7: {  	vm6 =	vgt.f32 v34, $5.000000000e-01;
	v57 =	vmul.f32 v31, v19;
	v21 =	vsel vm7, v46, v53;
	v50 =	vld.idx.msk [tilespmem:v52+s2+$0x0], $0xffff;
	[tilespmem:s26+$0x0] =	vst v27  }
0xa8: {  	v51 =	vsel vm6, v42, v39;
	v34 =	vsel vm11, v55, v59;
	[tilespmem:s26+$0xFFFFFF00] =	vst v21;
	v48 =	vld.idx.msk [tilespmem:v58+s2+$0x0], $0xffff  }
0xa9: {  	[tilespmem:s26+$0x80] =	vst v51;
	v52 =	vmul.f32 v47, v19;
	v56 =	vor.u32 v23, v38;
	v24 =	vld.idx.msk [tilespmem:v24+s2+$0x0], $0xffff  }
0xaa: {  	v39 =	vsel vm0, v43, v60;
	v60 =	vadd.f32 v57, v18;
	v53 =	vor.u32 v23, v40;
	v55 =	vld.idx.msk [tilespmem:v54+s2+$0x0], $0xffff  }
0xab: {  	v63 =	vor.u32 v23, v36;
	v59 =	vor.u32 v23, v41;
	v19 =	vadd.f32 v52, v18  }
0xac: {  	v30 =	vmul.f32 v30, v0;
	v44 =	vor.u32 v17, v41;
	v21 =	vsel vm5, v60, v50  }
0xad: {  	v51 =	vor.u32 v20, v40;
	v27 =	vsel vm4, v45, v32;
	[tilespmem:s26+$0xFFFFFF90] =	vst v21;
	v19 =	vsel vm13, v19, v48  }
0xae: {  	v18 =	vsel vm12, v49, v37;
	v24 =	vsel vm7, v61, v24;
	v46 =	vld.idx.msk [tilespmem:v56+s2+$0x0], $0xffff;
	[tilespmem:s26+$0x10] =	vst v19  }
0xaf: {  	v50 =	vmul.f32 v31, v13;
	[tilespmem:s26+$0xFFFFFF10] =	vst v24;
	v19 =	vsel vm6, v33, v55;
	v45 =	vld.idx.msk [tilespmem:v53+s2+$0x0], $0xffff  }
0xb0: {  	v48 =	vmul.f32 v47, v13;
	v49 =	vld.idx.msk [tilespmem:v59+s2+$0x0], $0xffff;
	[tilespmem:s26+$0x90] =	vst v19;
	v53 =	vor.u32 v20, v38  }
0xb1: {  	v23 =	vadd.f32 v62, v3;
	v52 =	vmul.f32 v35, v13;
	v19 =	vadd.f32 v50, v14;
	v22 =	vld.idx.msk [tilespmem:v63+s2+$0x0], $0xffff  }
0xb2: {  	v54 =	vor.u32 v20, v41;
	v55 =	vmul.f32 v15, v13;
	v32 =	vadd.f32 v48, v14  }
0xb3: {  	v42 =	vadd.f32 v52, v14;
	v56 =	vor.u32 v20, v36;
	v19 =	vsel vm5, v19, v46  }
0xb4: {  	v58 =	vmul.f32 v25, v0;
	v13 =	vadd.f32 v55, v14;
	[tilespmem:s26+$0xFFFFFFA0] =	vst v19;
	v21 =	vsel vm13, v32, v45  }
0xb5: {  	v62 =	vmul.f32 v31, v10;
	v57 =	vsel vm7, v42, v49;
	v59 =	vld.idx.msk [tilespmem:v53+s2+$0x0], $0xffff;
	[tilespmem:s26+$0x20] =	vst v21  }
0xb6: {  	v25 =	vadd.f32 v58, v3;
	[tilespmem:s26+$0xFFFFFF20] =	vst v57;
	v13 =	vsel vm6, v13, v22;
	v58 =	vld.idx.msk [tilespmem:v51+s2+$0x0], $0xffff  }
0xb7: {  	v60 =	vmul.f32 v47, v10;
	v42 =	vor.u32 v17, v38;
	v61 =	vld.idx.msk [tilespmem:v54+s2+$0x0], $0xffff;
	[tilespmem:s26+$0xA0] =	vst v13  }
0xb8: {  	v37 =	vmul.f32 v35, v10;
	v63 =	vor.u32 v17, v40;
	v13 =	vadd.f32 v62, v11;
	v20 =	vld.idx.msk [tilespmem:v56+s2+$0x0], $0xffff  }
0xb9: {  	v43 =	vmul.f32 v15, v10;
	v14 =	vadd.f32 v30, v3;
	v22 =	vadd.f32 v60, v11  }
0xba: {  	[tilespmem:s5+$0x60] =	vst v27;
	v30 =	vadd.f32 v37, v11;
	v45 =	vor.u32 v17, v36;
	v13 =	vsel vm5, v13, v59  }
0xbb: {  	v29 =	vld.idx.msk [tilespmem:v29+s2+$0x0], $0xffff;
	v10 =	vadd.f32 v43, v11;
	vm7 =	vmmov vm7;
	[tilespmem:s26+$0xFFFFFFB0] =	vst v13;
	v19 =	vsel vm13, v22, v58  }
0xbc: {  	v28 =	vor.u32 v9, v28;
	v46 =	vsel vm7, v30, v61;
	v49 =	vld.idx.msk [tilespmem:v42+s2+$0x0], $0xffff;
	[tilespmem:s26+$0x30] =	vst v19  }
0xbd: {  	v52 =	vmul.f32 v31, v7;
	[tilespmem:s26+$0xFFFFFF30] =	vst v46;
	v10 =	vsel vm6, v10, v20;
	v48 =	vld.idx.msk [tilespmem:v63+s2+$0x0], $0xffff  }
0xbe: {  	v50 =	vmul.f32 v47, v7;
	v55 =	vor.u32 v16, v38;
	v51 =	vld.idx.msk [tilespmem:v44+s2+$0x0], $0xffff;
	[tilespmem:s26+$0xB0] =	vst v10  }
0xbf: {  	v53 =	vor.u32 v16, v40;
	v54 =	vmul.f32 v35, v7;
	v10 =	vadd.f32 v52, v8;
	v17 =	vld.idx.msk [tilespmem:v45+s2+$0x0], $0xffff  }
0xc0: {  	v57 =	vmul.f32 v15, v7;
	v58 =	vor.u32 v16, v41;
	v20 =	vadd.f32 v50, v8  }
0xc1: {  	[tilespmem:s5+$0xFFFFFFE0] =	vst v34;
	v24 =	vadd.f32 v54, v8;
	v59 =	vor.u32 v16, v36;
	v10 =	vsel vm5, v10, v49  }
0xc2: {  	v56 =	vld.idx.msk [tilespmem:v28+s2+$0x0], $0xffff;
	v7 =	vadd.f32 v57, v8;
	[tilespmem:s26+$0xFFFFFFC0] =	vst v10;
	v13 =	vsel vm13, v20, v48  }
0xc3: {  	v11 =	vsel vm4, v25, v29;
	v62 =	vsel vm7, v24, v51;
	v24 =	vld.idx.msk [tilespmem:v55+s2+$0x0], $0xffff;
	[tilespmem:s26+$0x40] =	vst v13  }
0xc4: {  	vm14 =	vmmov vm5;
	v29 =	vmul.f32 v31, v4;
	[tilespmem:s26+$0xFFFFFF40] =	vst v62;
	v7 =	vsel vm6, v7, v17;
	v63 =	vld.idx.msk [tilespmem:v53+s2+$0x0], $0xffff  }
0xc5: {  	vm2 =	vmmov vm13;
	v33 =	vor.u32 v12, v38;
	v25 =	vmul.f32 v47, v4;
	v28 =	vld.idx.msk [tilespmem:v58+s2+$0x0], $0xffff;
	[tilespmem:s26+$0xC0] =	vst v7  }
0xc6: {  	v32 =	vmul.f32 v35, v4;
	v30 =	vor.u32 v12, v40;
	v7 =	vadd.f32 v29, v5;
	v16 =	vld.idx.msk [tilespmem:v59+s2+$0x0], $0xffff  }
0xc7: {  	v34 =	vor.u32 v12, v41;
	[tilespmem:s5+$0xFFFFFF60] =	vst v39;
	v60 =	vmul.f32 v15, v4;
	v17 =	vadd.f32 v25, v5  }
0xc8: {  	[tilespmem:s4+$0xE0] =	vst v18;
	v4 =	vadd.f32 v32, v5;
	v61 =	vor.u32 v12, v36;
	v7 =	vsel vm14, v7, v24  }
0xc9: {  	v37 =	vadd.f32 v60, v5;
	[tilespmem:s26+$0xFFFFFFD0] =	vst v7;
	v10 =	vsel vm2, v17, v63  }
0xca: {  	vm15 =	vmmov vm6;
	v4 =	vsel vm7, v4, v28;
	v43 =	vld.idx.msk [tilespmem:v33+s2+$0x0], $0xffff;
	[tilespmem:s26+$0x50] =	vst v10  }
0xcb: {  	[tilespmem:s26+$0xFFFFFF50] =	vst v4;
	v5 =	vsel vm15, v37, v16;
	v42 =	vld.idx.msk [tilespmem:v30+s2+$0x0], $0xffff  }
0xcc: {  	v45 =	vmul.f32 v31, v1;
	v12 =	vld.idx.msk [tilespmem:v34+s2+$0x0], $0xffff;
	[tilespmem:s26+$0xD0] =	vst v5  }
0xcd: {  	[tilespmem:s4+$0x70] =	vst v11;
	v44 =	vmul.f32 v47, v1;
	v49 =	vor.u32 v9, v38;
	v8 =	vld.idx.msk [tilespmem:v61+s2+$0x0], $0xffff  }
0xce: {  	v46 =	vor.u32 v9, v40;
	v48 =	vmul.f32 v35, v1;
	v5 =	vadd.f32 v45, v6;
	v53 =	vld [tilespmem:$0x1FFF0]  }
0xcf: {  	v50 =	vmul.f32 v15, v1;
	v51 =	vor.u32 v9, v41;
	v13 =	vadd.f32 v44, v6  }
0xd0: {  	v26 =	vld.idx.msk [tilespmem:v26+s2+$0x0], $0xffff;
	v52 =	vor.u32 v9, v36;
	v17 =	vadd.f32 v48, v6;
	v4 =	vsel vm14, v5, v43  }
0xd1: {  	v1 =	vadd.f32 v50, v6;
	[tilespmem:s26+$0xFFFFFFE0] =	vst v4;
	v7 =	vsel vm2, v13, v42  }
0xd2: {  	v14 =	vsel vm11, v14, v56;
	v54 =	vsel vm7, v17, v12;
	v56 =	vld.idx.msk [tilespmem:v49+s2+$0x0], $0xffff;
	[tilespmem:s26+$0x60] =	vst v7  }
0xd3: {  	v58 =	vmul.f32 v31, v0;
	[tilespmem:s26+$0xFFFFFF60] =	vst v54;
	v1 =	vsel vm15, v1, v8;
	v55 =	vld.idx.msk [tilespmem:v46+s2+$0x0], $0xffff  }
0xd4: {  	v57 =	vmul.f32 v47, v0;
	v59 =	vld.idx.msk [tilespmem:v51+s2+$0x0], $0xffff;
	[tilespmem:s26+$0xE0] =	vst v1  }
0xd5: {  	v39 =	vsel vm0, v23, v26;
	v60 =	vmul.f32 v35, v0;
	v7 =	vadd.f32 v58, v3;
	v9 =	vld.idx.msk [tilespmem:v52+s2+$0x0], $0xffff  }
0xd6: {  	v6 =	vadd.f32 v57, v3;
	[tilespmem:s4+$0xFFFFFFF0] =	vst v14;
	v61 =	vmul.f32 v15, v0;
	v13 =	vld.idx.msk [tilespmem:v53+s2+$0x0], $0xffff  }
0xd7: {  	v2 =	vmul.f32 v2, v0;
	[tilespmem:s4+$0xFFFFFF70] =	vst v39;
	v1 =	vadd.f32 v60, v3;
	v63 =	vsel vm14, v7, v56  }
0xd8: {  	v0 =	vadd.f32 v61, v3;
	[tilespmem:s26+$0xFFFFFFF0] =	vst v63;
	v62 =	vsel vm2, v6, v55  }
0xd9: {  	v2 =	vadd.f32 v2, v3;
	v1 =	vsel vm7, v1, v59;
	[tilespmem:s26+$0x70] =	vst v62  }
0xda: {  	[tilespmem:s26+$0xFFFFFF70] =	vst v1;
	v0 =	vsel vm15, v0, v9  }
0xdb: {  	s28 =	sshll.u32 s1, $0xB;
	s29 =	simm.s32 $0x0;
	v2 =	vsel vm12, v2, v13;
	[tilespmem:s26+$0xF0] =	vst v0  }
0xdc: {  	s30 =	simm.s32 $0x4D80;
	s31 =	simm.s32 $0x1;
	s2 =	sadd.s32 s3, s28;
	[tilespmem:s4+$0xF0] =	vst v2  }
0xdd: {  	[hbm4b:s2+s29] =	stream.linear.scatter [tilespmem:s30], [sflag:$0x1], $0x4000, $0x38;
	[tilespmem:$0x8D80] =	vst v63  }
0xde: {  	_ =	swait.ge [sflag:s31], $0x4000  }
0xdf: {  	[sflag:s31] =	ssyncset.done $0x0  }
0xe0: {  	[sflag:s31] =	ssyncadd.s32 $0xFFFFC000  }
0xe1: {  	_ =	sfence.sel $0x180000  }
0xe2: {  	[bflag:$0x0] =	sbarrier.arrive $0xFFFF  }
0xe3: {  	p0 =	sne.s32 s1, $0x0;
	_ =	strace $0x90000047  }
0xe4: {  	s0 =	sadd.s32 @!p0 $0x100000, s0;
	[bflag:$0x2] =	sbarrier.arrive $0xFFFF  }
0xe5: {  	[sflag:s0] =	ssyncadd.tile.s32 @!p0 $0x1;
	_ =	shalt  }
.Lfunc_end2:
_tile_overlayer_lowered:
.L_overlay_start_2:
0xe6: {  	(tag) =	ssettag $0x2  }
0xe7: {  	s0 =	rddreg [dreg:$0x0];
	s2 =	stileid.u32  }
0xe8: {  	s1 =	rddreg [dreg:$0x1];
	p0 =	sne.s32 s2, $0x0  }
0xe9: {  	s3 =	rddreg [dreg:$0x2];
	[bflag:$0x3] =	sbarrier.arrive $0xFFFF;
	s2 =	simm.s32 @!p0 $0x1C02  }
0xea: {  	[timem:s3], [sflag:s2] =	dma.local @!p0 [hbm:s0], s1  }
0xeb: {  	s0 =	simm.s32 @!p0 $0x2  }
0xec: {  	_ =	swait.ge @!p0 [sflag:s0], s1  }
0xed: {  	s1 =	ssub.s32 @!p0 $0x0, s1;
	[sflag:s0] =	ssyncset.done @!p0 $0x0  }
0xee: {  	[sflag:s0] =	ssyncadd.s32 @!p0 s1  }
0xef: {  	[bflag:$0x3] =	sbarrier.arrive $0xFFFF  }
0xf0: {  	_ =	shalt  }

</sc_bundles>
